<compile_context>
chip_gen: v7x
topology: tpu7x:2x2x1
jax: 0.10.2.dev20260603
libtpu: 0.0.44.dev20260713+nightly
codegen_flags: <defaults>
</compile_context>

<pallas_src>
import jax
import jax.numpy as jnp
from jax import lax
from jax.experimental import pallas as pl
from jax.experimental.pallas import tpu as pltpu
from jax.experimental.pallas import tpu_sc as plsc

B, S, H = 4, 2048, 4096
N = B * S
NC, NS, L = 2, 16, 16
NW = NC * NS
TOK = N // NW
T = 4
NCHUNK = TOK // T
NBE = 3
NBR = 3
IST = 8
EPS = 1e-5


def _allsum16(x):
    iota = lax.iota(jnp.int32, L)
    dnums = lax.GatherDimensionNumbers(
        offset_dims=(), collapsed_slice_dims=(0,), start_index_map=(0,))
    for k in (1, 2, 4, 8):
        perm = lax.bitwise_and(iota + jnp.int32(k), jnp.int32(L - 1))
        x = x + lax.gather(
            x, perm[:, None], dnums, slice_sizes=(1,),
            unique_indices=True, indices_are_sorted=False,
            mode=lax.GatherScatterMode.PROMISE_IN_BOUNDS)
    return x


def _rsqrt16(v):
    i = lax.bitcast_convert_type(v, jnp.int32)
    i = jnp.int32(0x5F3759DF) - lax.shift_right_arithmetic(i, jnp.int32(1))
    y = lax.bitcast_convert_type(i, jnp.float32)
    half = jnp.float32(0.5) * v
    for _ in range(3):
        y = y * (jnp.float32(1.5) - half * y * y)
    return y


def _sc_body(emb_hbm, idx_hbm, table_hbm, gamma_hbm, beta_hbm, out_hbm,
             idx_v, bufe_v, bufr_v, gamma_v, beta_v,
             sem_emb, sem_gad, sem_out):
    wid = lax.axis_index("s") * NC + lax.axis_index("c")
    base = wid * TOK

    pltpu.sync_copy(idx_hbm.at[pl.ds(wid * (NCHUNK * IST), NCHUNK * IST)],
                    idx_v)
    pltpu.sync_copy(gamma_hbm, gamma_v)
    pltpu.sync_copy(beta_hbm, beta_v)

    def _addone(i, c):
        sl = pl.ds(i * L, L)
        idx_v[sl] = idx_v[sl] + jnp.int32(1)
        return c
    lax.fori_loop(0, NCHUNK * IST // L, _addone, 0)

    inv_h = jnp.float32(1.0 / H)
    zero = jnp.zeros((L,), jnp.float32)

    def emb_start(ct):
        pltpu.async_copy(emb_hbm.at[pl.ds(base + ct * T, T)],
                         bufe_v.at[lax.rem(ct, NBE)], sem_emb)

    def emb_wait():
        pltpu.make_async_copy(emb_hbm.at[pl.ds(base, T)],
                              bufe_v.at[0], sem_emb).wait()

    def gad_start(ct):
        pltpu.async_copy(table_hbm.at[idx_v.at[pl.ds(ct * IST, T)]],
                         bufr_v.at[lax.rem(ct, NBR)], sem_gad)

    def gad_wait():
        pltpu.make_async_copy(emb_hbm.at[pl.ds(base, T)],
                              bufr_v.at[0], sem_gad).wait()

    def out_start(ct):
        pltpu.async_copy(bufe_v.at[lax.rem(ct, NBE)],
                         out_hbm.at[pl.ds(base + ct * T, T)], sem_out)

    def out_wait():
        pltpu.make_async_copy(bufe_v.at[0],
                              out_hbm.at[pl.ds(base, T)], sem_out).wait()

    def compute(ct):
        be = lax.rem(ct, NBE)
        br = lax.rem(ct, NBR)
        aa = []
        cc = []

        def _p1(j, carry):
            s = list(carry[:T])
            q = list(carry[T:])
            for k in range(2):
                for t in range(T):
                    sl = pl.ds((j + k) * L, L)
                    x = bufe_v[be, t, sl] + bufr_v[br, t, sl]
                    bufe_v[be, t, sl] = x
                    s[t] = s[t] + x
                    q[t] = q[t] + x * x
            return (*s, *q)

        r = plsc.parallel_loop(0, H // L, step=2, unroll=2,
                               carry=(zero,) * (2 * T))(_p1)
        for t in range(T):
            mean = _allsum16(r[t]) * inv_h
            var = _allsum16(r[T + t]) * inv_h - mean * mean
            rstd = _rsqrt16(var + jnp.float32(EPS))
            aa.append(rstd)
            cc.append(-mean * rstd)

        def _p2(j):
            for k in range(2):
                sl = pl.ds((j + k) * L, L)
                g = gamma_v[sl]
                bt = beta_v[sl]
                for t in range(T):
                    x = bufe_v[be, t, sl]
                    bufe_v[be, t, sl] = (x * aa[t] + cc[t]) * g + bt

        plsc.parallel_loop(0, H // L, step=2, unroll=2)(_p2)

    emb_start(0)
    gad_start(0)
    emb_start(1)
    gad_start(1)

    def _chunk(ct, c):
        @pl.when(ct + 2 < NCHUNK)
        def _():
            @pl.when(ct >= 1)
            def _():
                out_wait()
            emb_start(ct + 2)
            gad_start(ct + 2)

        emb_wait()
        gad_wait()
        compute(ct)
        out_start(ct)
        return c

    lax.fori_loop(0, NCHUNK, _chunk, 0)
    out_wait()
    out_wait()
    out_wait()


@jax.jit
def _run(emb2d, idx1d, table, gamma, beta):
    mesh = plsc.VectorSubcoreMesh(core_axis_name="c", subcore_axis_name="s",
                                  num_cores=NC, num_subcores=NS)
    f = pl.kernel(
        _sc_body,
        out_type=jax.ShapeDtypeStruct((N, H), jnp.float32),
        mesh=mesh,
        scratch_types=[
            pltpu.VMEM((TOK // T * IST,), jnp.int32),
            pltpu.VMEM((NBE, T, H), jnp.float32),
            pltpu.VMEM((NBR, T, H), jnp.float32),
            pltpu.VMEM((H,), jnp.float32),
            pltpu.VMEM((H,), jnp.float32),
            pltpu.SemaphoreType.DMA,
            pltpu.SemaphoreType.DMA,
            pltpu.SemaphoreType.DMA,
        ],
    )
    return f(emb2d, idx1d, table, gamma, beta)


def kernel(embedded_input_ids, position_ids, pos_table, ln_gamma, ln_beta):
    emb2d = embedded_input_ids.reshape(N, H)
    idx1d = position_ids.astype(jnp.int32).reshape(N)
    idxp = (jnp.zeros((N // T, IST), jnp.int32)
            .at[:, :T].set(idx1d.reshape(N // T, T)).reshape(-1))
    out = _run(emb2d, idxp, pos_table, ln_gamma, ln_beta)
    return out.reshape(B, S, H)

# --- scband reference (transcript-rebuilt; emitter-appended) ---
"""Pipeline reference for scband-embeddings-4174708211937 (READ-ONLY COPY).

The authoritative reference and input builder live on the scoring server;
editing this copy changes nothing except your own understanding.
"""

import jax, jax.numpy as jnp
import numpy as np

B, S, H = 4, 2048, 4096
MAX_POS = 8192

def setup_inputs(seed: int = 0) -> dict:
    key = jax.random.key(seed)
    k1, k2, k3 = jax.random.split(key, 3)
    embedded_input_ids = jax.random.normal(k1, (B, S, H), dtype=jnp.float32)
    position_ids = jax.random.randint(k2, (B, S), 0, 8190, dtype=jnp.int64)
    pos_table = jax.random.normal(k3, (MAX_POS, H), dtype=jnp.float32) * 0.02
    ln_gamma = jnp.ones((H,), dtype=jnp.float32)
    ln_beta = jnp.zeros((H,), dtype=jnp.float32)
    return {"embedded_input_ids": embedded_input_ids, "position_ids": position_ids,
            "pos_table": pos_table, "ln_gamma": ln_gamma, "ln_beta": ln_beta}

def reference(embedded_input_ids, position_ids, pos_table, ln_gamma, ln_beta):
    # position_ids.long() + 1
    pos = position_ids.astype(jnp.int32) + 1
    # embedding lookup (gather)
    position_embeddings = jnp.take(pos_table, pos, axis=0)
    embeddings = embedded_input_ids + position_embeddings
    # LayerNorm over last dim, eps=1e-5 (PyTorch default)
    mean = jnp.mean(embeddings, axis=-1, keepdims=True)
    var = jnp.mean((embeddings - mean) ** 2, axis=-1, keepdims=True)
    normed = (embeddings - mean) / jnp.sqrt(var + 1e-5)
    out = normed * ln_gamma + ln_beta
    # dropout is identity in eval mode
    return out

if __name__ == "__main__":
    import jax
    _d = setup_inputs()
    print(jax.jit(kernel)(*tuple(_d.values())))

</pallas_src>

<mosaic_0001>
#map = affine_map<(d0, d1) -> (0, 0)>
#map1 = affine_map<(d0, d1) -> (0)>
module attributes {stable_mosaic.version = 14 : i64} {
  func.func @_sc_body(%arg0: i32, %arg1: i32, %arg2: memref<8192x4096xf32, #tpu.memory_space<hbm>>, %arg3: memref<16384xi32, #tpu.memory_space<hbm>>, %arg4: memref<8192x4096xf32, #tpu.memory_space<hbm>>, %arg5: memref<4096xf32, #tpu.memory_space<hbm>>, %arg6: memref<4096xf32, #tpu.memory_space<hbm>>, %arg7: memref<8192x4096xf32, #tpu.memory_space<hbm>>, %arg8: memref<512xi32, #tpu.memory_space<vmem>>, %arg9: memref<3x4x4096xf32, #tpu.memory_space<vmem>>, %arg10: memref<3x4x4096xf32, #tpu.memory_space<vmem>>, %arg11: memref<4096xf32, #tpu.memory_space<vmem>>, %arg12: memref<4096xf32, #tpu.memory_space<vmem>>, %arg13: memref<!tpu.dma_semaphore, #tpu.memory_space<semaphore_mem>>, %arg14: memref<!tpu.dma_semaphore, #tpu.memory_space<semaphore_mem>>, %arg15: memref<!tpu.dma_semaphore, #tpu.memory_space<semaphore_mem>>) attributes {dimension_semantics = [#tpu.dimension_semantics<core_parallel>, #tpu.dimension_semantics<subcore_parallel>], iteration_bounds = array<i64: 2, 16>, scalar_prefetch = 0 : i64, scratch_operands = 8 : i64, tpu.core_type = #tpu.core_type<sc_vector_subcore>, window_params = [{transform_indices = #map}, {transform_indices = #map1}, {transform_indices = #map}, {transform_indices = #map1}, {transform_indices = #map1}, {transform_indices = #map}]} {
    %mul3A = arith.constant 2 : i32
    %mul3A_0 = arith.muli %arg1, %mul3A : i32
    %add3A = arith.addi %mul3A_0, %arg0 : i32
    %mul3A_1 = arith.constant 256 : i32
    %mul3A_2 = arith.muli %add3A, %mul3A_1 : i32
    %mul3A_3 = arith.constant 512 : i32
    %mul3A_4 = arith.muli %add3A, %mul3A_3 : i32
    "tpu.region"() ({
      %run_scoped3A = tpu.sem_alloc : memref<!tpu.dma_semaphore, #tpu.memory_space<semaphore_mem>>
      %dma_start3A_112 = tpu.memref_slice %arg3[%mul3A_4] : memref<16384xi32, #tpu.memory_space<hbm>> -> memref<512xi32, #tpu.memory_space<hbm>>
      %dma_start3A_113 = tpu.memref_slice %arg3[%mul3A_4] : memref<16384xi32, #tpu.memory_space<hbm>> -> memref<512xi32, #tpu.memory_space<hbm>>
      tpu.enqueue_dma source(%dma_start3A_113 : memref<512xi32, #tpu.memory_space<hbm>>) target(%arg8 : memref<512xi32, #tpu.memory_space<vmem>>) target_semaphore(%run_scoped3A : memref<!tpu.dma_semaphore, #tpu.memory_space<semaphore_mem>>)
      %dma_wait3A_114 = tpu.memref_slice %arg3[%mul3A_4] : memref<16384xi32, #tpu.memory_space<hbm>> -> memref<512xi32, #tpu.memory_space<hbm>>
      %dma_wait3A_115 = tpu.memref_slice %arg3[%mul3A_4] : memref<16384xi32, #tpu.memory_space<hbm>> -> memref<512xi32, #tpu.memory_space<hbm>>
      tpu.wait_dma2 semaphore(%run_scoped3A : memref<!tpu.dma_semaphore, #tpu.memory_space<semaphore_mem>>) src(%dma_wait3A_115 : memref<512xi32, #tpu.memory_space<hbm>>) dst(%arg8 : memref<512xi32, #tpu.memory_space<vmem>>)
      tpu.yield
    }) : () -> ()
    "tpu.region"() ({
      %run_scoped3A = tpu.sem_alloc : memref<!tpu.dma_semaphore, #tpu.memory_space<semaphore_mem>>
      tpu.enqueue_dma source(%arg5 : memref<4096xf32, #tpu.memory_space<hbm>>) target(%arg11 : memref<4096xf32, #tpu.memory_space<vmem>>) target_semaphore(%run_scoped3A : memref<!tpu.dma_semaphore, #tpu.memory_space<semaphore_mem>>)
      tpu.wait_dma2 semaphore(%run_scoped3A : memref<!tpu.dma_semaphore, #tpu.memory_space<semaphore_mem>>) src(%arg5 : memref<4096xf32, #tpu.memory_space<hbm>>) dst(%arg11 : memref<4096xf32, #tpu.memory_space<vmem>>)
      tpu.yield
    }) : () -> ()
    "tpu.region"() ({
      %run_scoped3A = tpu.sem_alloc : memref<!tpu.dma_semaphore, #tpu.memory_space<semaphore_mem>>
      tpu.enqueue_dma source(%arg6 : memref<4096xf32, #tpu.memory_space<hbm>>) target(%arg12 : memref<4096xf32, #tpu.memory_space<vmem>>) target_semaphore(%run_scoped3A : memref<!tpu.dma_semaphore, #tpu.memory_space<semaphore_mem>>)
      tpu.wait_dma2 semaphore(%run_scoped3A : memref<!tpu.dma_semaphore, #tpu.memory_space<semaphore_mem>>) src(%arg6 : memref<4096xf32, #tpu.memory_space<hbm>>) dst(%arg12 : memref<4096xf32, #tpu.memory_space<vmem>>)
      tpu.yield
    }) : () -> ()
    %scan3A = arith.constant 0 : i32
    %scan3A_5 = arith.constant 0 : i32
    %scan3A_6 = arith.constant 32 : i32
    %scan3A_7 = arith.addi %scan3A_5, %scan3A_6 : i32
    %scan3A_8 = arith.constant 1 : i32
    scf.for %scan3A_112 = %scan3A_5 to %scan3A_7 step %scan3A_8  : i32 {
      %mul3A_113 = arith.constant 16 : i32
      %mul3A_114 = arith.muli %scan3A_112, %mul3A_113 : i32
      %get3A = arith.index_cast %mul3A_114 : i32 to index
      %get3A_115 = tpu.vector_load %arg8[%get3A] {strides = array<i32>} : memref<512xi32, #tpu.memory_space<vmem>>, vector<16xi32>,
      %get3A_116 = vector.shape_cast %get3A_115 : vector<16xi32> to vector<16xi32>
      %add3A_117 = arith.constant 1 : i32
      %add3A_118 = vector.broadcast %add3A_117 : i32 to vector<16xi32>
      %add3A_119 = arith.addi %get3A_116, %add3A_118 : vector<16xi32>
      %swap3A = arith.index_cast %mul3A_114 : i32 to index
      %swap3A_120 = tpu.vector_load %arg8[%swap3A] {strides = array<i32>} : memref<512xi32, #tpu.memory_space<vmem>>, vector<16xi32>,
      %swap3A_121 = vector.shape_cast %swap3A_120 : vector<16xi32> to vector<16xi32>
      %swap3A_122 = vector.shape_cast %add3A_119 : vector<16xi32> to vector<16xi32>
      tpu.vector_store %arg8[%swap3A], %swap3A_122 {strides = array<i32>} : memref<512xi32, #tpu.memory_space<vmem>>, vector<16xi32>,
    }
    %scan3A_9 = arith.constant 32 : i32
    %broadcast_in_dim3A = arith.constant 0.000000e+00 : f32
    %broadcast_in_dim3A_10 = vector.broadcast %broadcast_in_dim3A : f32 to vector<16xf32>
    %add3A_11 = arith.constant 0 : i32
    %add3A_12 = arith.addi %mul3A_2, %add3A_11 : i32
    %rem3A = arith.constant 0 : i32
    %rem3A_13 = arith.constant 3 : i32
    %rem3A_14 = arith.remsi %rem3A, %rem3A_13 : i32
    %dma_start3A = arith.constant 0 : i32
    %dma_start3A_15 = arith.constant 0 : i32
    %dma_start3A_16 = tpu.memref_slice %arg9[%rem3A_14, %dma_start3A, %dma_start3A_15] : memref<3x4x4096xf32, #tpu.memory_space<vmem>> -> memref<1x4x4096xf32, #tpu.memory_space<vmem>>
    %dma_start3A_17 = tpu.memref_squeeze %dma_start3A_16 : memref<1x4x4096xf32, #tpu.memory_space<vmem>> -> memref<4x4096xf32, #tpu.memory_space<vmem>>
    %dma_start3A_18 = arith.constant 0 : i32
    %dma_start3A_19 = tpu.memref_slice %arg2[%add3A_12, %dma_start3A_18] : memref<8192x4096xf32, #tpu.memory_space<hbm>> -> memref<4x4096xf32, #tpu.memory_space<hbm>>
    %dma_start3A_20 = arith.constant 0 : i32
    %dma_start3A_21 = arith.constant 0 : i32
    %dma_start3A_22 = tpu.memref_slice %arg9[%rem3A_14, %dma_start3A_20, %dma_start3A_21] : memref<3x4x4096xf32, #tpu.memory_space<vmem>> -> memref<1x4x4096xf32, #tpu.memory_space<vmem>>
    %dma_start3A_23 = tpu.memref_squeeze %dma_start3A_22 : memref<1x4x4096xf32, #tpu.memory_space<vmem>> -> memref<4x4096xf32, #tpu.memory_space<vmem>>
    %dma_start3A_24 = arith.constant 0 : i32
    %dma_start3A_25 = tpu.memref_slice %arg2[%add3A_12, %dma_start3A_24] : memref<8192x4096xf32, #tpu.memory_space<hbm>> -> memref<4x4096xf32, #tpu.memory_space<hbm>>
    tpu.enqueue_dma source(%dma_start3A_25 : memref<4x4096xf32, #tpu.memory_space<hbm>>) target(%dma_start3A_23 : memref<4x4096xf32, #tpu.memory_space<vmem>>) target_semaphore(%arg13 : memref<!tpu.dma_semaphore, #tpu.memory_space<semaphore_mem>>)
    %rem3A_26 = arith.constant 0 : i32
    %rem3A_27 = arith.constant 3 : i32
    %rem3A_28 = arith.remsi %rem3A_26, %rem3A_27 : i32
    %dma_start3A_29 = arith.constant 0 : i32
    %dma_start3A_30 = arith.constant 0 : i32
    %dma_start3A_31 = tpu.memref_slice %arg10[%rem3A_28, %dma_start3A_29, %dma_start3A_30] : memref<3x4x4096xf32, #tpu.memory_space<vmem>> -> memref<1x4x4096xf32, #tpu.memory_space<vmem>>
    %dma_start3A_32 = tpu.memref_squeeze %dma_start3A_31 : memref<1x4x4096xf32, #tpu.memory_space<vmem>> -> memref<4x4096xf32, #tpu.memory_space<vmem>>
    %dma_start3A_33 = arith.constant 0 : i32
    %dma_start3A_34 = tpu.memref_slice %arg8[%dma_start3A_33] : memref<512xi32, #tpu.memory_space<vmem>> -> memref<4xi32, #tpu.memory_space<vmem>>
    %dma_start3A_35 = arith.constant 0 : i32
    %dma_start3A_36 = arith.constant 0 : i32
    %dma_start3A_37 = tpu.memref_slice %arg4[%dma_start3A_35, %dma_start3A_36] : memref<8192x4096xf32, #tpu.memory_space<hbm>> -> memref<8192x4096xf32, #tpu.memory_space<hbm>>
    tpu.enqueue_indirect_dma source(%dma_start3A_37 : memref<8192x4096xf32, #tpu.memory_space<hbm>>) target(%dma_start3A_32 : memref<4x4096xf32, #tpu.memory_space<vmem>>) offsets(%dma_start3A_34 : memref<4xi32, #tpu.memory_space<vmem>>) semaphore(%arg14 : memref<!tpu.dma_semaphore, #tpu.memory_space<semaphore_mem>>)
    %add3A_38 = arith.constant 4 : i32
    %add3A_39 = arith.addi %mul3A_2, %add3A_38 : i32
    %rem3A_40 = arith.constant 1 : i32
    %rem3A_41 = arith.constant 3 : i32
    %rem3A_42 = arith.remsi %rem3A_40, %rem3A_41 : i32
    %dma_start3A_43 = arith.constant 0 : i32
    %dma_start3A_44 = arith.constant 0 : i32
    %dma_start3A_45 = tpu.memref_slice %arg9[%rem3A_42, %dma_start3A_43, %dma_start3A_44] : memref<3x4x4096xf32, #tpu.memory_space<vmem>> -> memref<1x4x4096xf32, #tpu.memory_space<vmem>>
    %dma_start3A_46 = tpu.memref_squeeze %dma_start3A_45 : memref<1x4x4096xf32, #tpu.memory_space<vmem>> -> memref<4x4096xf32, #tpu.memory_space<vmem>>
    %dma_start3A_47 = arith.constant 0 : i32
    %dma_start3A_48 = tpu.memref_slice %arg2[%add3A_39, %dma_start3A_47] : memref<8192x4096xf32, #tpu.memory_space<hbm>> -> memref<4x4096xf32, #tpu.memory_space<hbm>>
    %dma_start3A_49 = arith.constant 0 : i32
    %dma_start3A_50 = arith.constant 0 : i32
    %dma_start3A_51 = tpu.memref_slice %arg9[%rem3A_42, %dma_start3A_49, %dma_start3A_50] : memref<3x4x4096xf32, #tpu.memory_space<vmem>> -> memref<1x4x4096xf32, #tpu.memory_space<vmem>>
    %dma_start3A_52 = tpu.memref_squeeze %dma_start3A_51 : memref<1x4x4096xf32, #tpu.memory_space<vmem>> -> memref<4x4096xf32, #tpu.memory_space<vmem>>
    %dma_start3A_53 = arith.constant 0 : i32
    %dma_start3A_54 = tpu.memref_slice %arg2[%add3A_39, %dma_start3A_53] : memref<8192x4096xf32, #tpu.memory_space<hbm>> -> memref<4x4096xf32, #tpu.memory_space<hbm>>
    tpu.enqueue_dma source(%dma_start3A_54 : memref<4x4096xf32, #tpu.memory_space<hbm>>) target(%dma_start3A_52 : memref<4x4096xf32, #tpu.memory_space<vmem>>) target_semaphore(%arg13 : memref<!tpu.dma_semaphore, #tpu.memory_space<semaphore_mem>>)
    %rem3A_55 = arith.constant 1 : i32
    %rem3A_56 = arith.constant 3 : i32
    %rem3A_57 = arith.remsi %rem3A_55, %rem3A_56 : i32
    %dma_start3A_58 = arith.constant 0 : i32
    %dma_start3A_59 = arith.constant 0 : i32
    %dma_start3A_60 = tpu.memref_slice %arg10[%rem3A_57, %dma_start3A_58, %dma_start3A_59] : memref<3x4x4096xf32, #tpu.memory_space<vmem>> -> memref<1x4x4096xf32, #tpu.memory_space<vmem>>
    %dma_start3A_61 = tpu.memref_squeeze %dma_start3A_60 : memref<1x4x4096xf32, #tpu.memory_space<vmem>> -> memref<4x4096xf32, #tpu.memory_space<vmem>>
    %dma_start3A_62 = arith.constant 8 : i32
    %dma_start3A_63 = tpu.memref_slice %arg8[%dma_start3A_62] : memref<512xi32, #tpu.memory_space<vmem>> -> memref<4xi32, #tpu.memory_space<vmem>>
    %dma_start3A_64 = arith.constant 0 : i32
    %dma_start3A_65 = arith.constant 0 : i32
    %dma_start3A_66 = tpu.memref_slice %arg4[%dma_start3A_64, %dma_start3A_65] : memref<8192x4096xf32, #tpu.memory_space<hbm>> -> memref<8192x4096xf32, #tpu.memory_space<hbm>>
    tpu.enqueue_indirect_dma source(%dma_start3A_66 : memref<8192x4096xf32, #tpu.memory_space<hbm>>) target(%dma_start3A_61 : memref<4x4096xf32, #tpu.memory_space<vmem>>) offsets(%dma_start3A_63 : memref<4xi32, #tpu.memory_space<vmem>>) semaphore(%arg14 : memref<!tpu.dma_semaphore, #tpu.memory_space<semaphore_mem>>)
    %scan3A_67 = arith.constant 0 : i32
    %scan3A_68 = arith.constant 2.44140625E-4 : f32
    %scan3A_69 = arith.constant 0 : i32
    %scan3A_70 = arith.constant 64 : i32
    %scan3A_71 = arith.addi %scan3A_69, %scan3A_70 : i32
    %scan3A_72 = arith.constant 1 : i32
    scf.for %scan3A_112 = %scan3A_69 to %scan3A_71 step %scan3A_72  : i32 {
      %add3A_113 = arith.constant 2 : i32
      %add3A_114 = arith.addi %scan3A_112, %add3A_113 : i32
      %lt3A = arith.constant 64 : i32
      %lt3A_115 = arith.cmpi slt, %add3A_114, %lt3A : i32
      %convert_element_type3A = arith.extui %lt3A_115 : i1 to i32
      %cond3A = arith.constant 0 : i32
      %cond3A_116 = arith.cmpi ne, %convert_element_type3A, %cond3A : i32
      scf.if %cond3A_116 {
        %ge3A = arith.constant 1 : i32
        %ge3A_659 = arith.cmpi sge, %scan3A_112, %ge3A : i32
        %convert_element_type3A_660 = arith.extui %ge3A_659 : i1 to i32
        %cond3A_661 = arith.constant 0 : i32
        %cond3A_662 = arith.cmpi ne, %convert_element_type3A_660, %cond3A_661 : i32
        scf.if %cond3A_662 {
          %dma_wait3A_696 = arith.constant 0 : i32
          %dma_wait3A_697 = arith.constant 0 : i32
          %dma_wait3A_698 = arith.constant 0 : i32
          %dma_wait3A_699 = tpu.memref_slice %arg9[%dma_wait3A_696, %dma_wait3A_697, %dma_wait3A_698] : memref<3x4x4096xf32, #tpu.memory_space<vmem>> -> memref<1x4x4096xf32, #tpu.memory_space<vmem>>
          %dma_wait3A_700 = tpu.memref_squeeze %dma_wait3A_699 : memref<1x4x4096xf32, #tpu.memory_space<vmem>> -> memref<4x4096xf32, #tpu.memory_space<vmem>>
          %dma_wait3A_701 = arith.constant 0 : i32
          %dma_wait3A_702 = tpu.memref_slice %arg7[%mul3A_2, %dma_wait3A_701] : memref<8192x4096xf32, #tpu.memory_space<hbm>> -> memref<4x4096xf32, #tpu.memory_space<hbm>>
          %dma_wait3A_703 = arith.constant 0 : i32
          %dma_wait3A_704 = tpu.memref_slice %arg7[%mul3A_2, %dma_wait3A_703] : memref<8192x4096xf32, #tpu.memory_space<hbm>> -> memref<4x4096xf32, #tpu.memory_space<hbm>>
          %dma_wait3A_705 = arith.constant 0 : i32
          %dma_wait3A_706 = arith.constant 0 : i32
          %dma_wait3A_707 = tpu.memref_slice %arg9[%dma_wait3A_696, %dma_wait3A_705, %dma_wait3A_706] : memref<3x4x4096xf32, #tpu.memory_space<vmem>> -> memref<1x4x4096xf32, #tpu.memory_space<vmem>>
          %dma_wait3A_708 = tpu.memref_squeeze %dma_wait3A_707 : memref<1x4x4096xf32, #tpu.memory_space<vmem>> -> memref<4x4096xf32, #tpu.memory_space<vmem>>
          tpu.wait_dma2 semaphore(%arg15 : memref<!tpu.dma_semaphore, #tpu.memory_space<semaphore_mem>>) src(%dma_wait3A_708 : memref<4x4096xf32, #tpu.memory_space<vmem>>) dst(%dma_wait3A_704 : memref<4x4096xf32, #tpu.memory_space<hbm>>)
        } else {
        }
        %add3A_663 = arith.constant 2 : i32
        %add3A_664 = arith.addi %scan3A_112, %add3A_663 : i32
        %mul3A_665 = arith.constant 4 : i32
        %mul3A_666 = arith.muli %add3A_664, %mul3A_665 : i32
        %add3A_667 = arith.addi %mul3A_2, %mul3A_666 : i32
        %rem3A_668 = arith.constant 3 : i32
        %rem3A_669 = arith.remsi %add3A_664, %rem3A_668 : i32
        %dma_start3A_670 = arith.constant 0 : i32
        %dma_start3A_671 = arith.constant 0 : i32
        %dma_start3A_672 = tpu.memref_slice %arg9[%rem3A_669, %dma_start3A_670, %dma_start3A_671] : memref<3x4x4096xf32, #tpu.memory_space<vmem>> -> memref<1x4x4096xf32, #tpu.memory_space<vmem>>
        %dma_start3A_673 = tpu.memref_squeeze %dma_start3A_672 : memref<1x4x4096xf32, #tpu.memory_space<vmem>> -> memref<4x4096xf32, #tpu.memory_space<vmem>>
        %dma_start3A_674 = arith.constant 0 : i32
        %dma_start3A_675 = tpu.memref_slice %arg2[%add3A_667, %dma_start3A_674] : memref<8192x4096xf32, #tpu.memory_space<hbm>> -> memref<4x4096xf32, #tpu.memory_space<hbm>>
        %dma_start3A_676 = arith.constant 0 : i32
        %dma_start3A_677 = arith.constant 0 : i32
        %dma_start3A_678 = tpu.memref_slice %arg9[%rem3A_669, %dma_start3A_676, %dma_start3A_677] : memref<3x4x4096xf32, #tpu.memory_space<vmem>> -> memref<1x4x4096xf32, #tpu.memory_space<vmem>>
        %dma_start3A_679 = tpu.memref_squeeze %dma_start3A_678 : memref<1x4x4096xf32, #tpu.memory_space<vmem>> -> memref<4x4096xf32, #tpu.memory_space<vmem>>
        %dma_start3A_680 = arith.constant 0 : i32
        %dma_start3A_681 = tpu.memref_slice %arg2[%add3A_667, %dma_start3A_680] : memref<8192x4096xf32, #tpu.memory_space<hbm>> -> memref<4x4096xf32, #tpu.memory_space<hbm>>
        tpu.enqueue_dma source(%dma_start3A_681 : memref<4x4096xf32, #tpu.memory_space<hbm>>) target(%dma_start3A_679 : memref<4x4096xf32, #tpu.memory_space<vmem>>) target_semaphore(%arg13 : memref<!tpu.dma_semaphore, #tpu.memory_space<semaphore_mem>>)
        %add3A_682 = arith.constant 2 : i32
        %add3A_683 = arith.addi %scan3A_112, %add3A_682 : i32
        %mul3A_684 = arith.constant 8 : i32
        %mul3A_685 = arith.muli %add3A_683, %mul3A_684 : i32
        %rem3A_686 = arith.constant 3 : i32
        %rem3A_687 = arith.remsi %add3A_683, %rem3A_686 : i32
        %dma_start3A_688 = arith.constant 0 : i32
        %dma_start3A_689 = arith.constant 0 : i32
        %dma_start3A_690 = tpu.memref_slice %arg10[%rem3A_687, %dma_start3A_688, %dma_start3A_689] : memref<3x4x4096xf32, #tpu.memory_space<vmem>> -> memref<1x4x4096xf32, #tpu.memory_space<vmem>>
        %dma_start3A_691 = tpu.memref_squeeze %dma_start3A_690 : memref<1x4x4096xf32, #tpu.memory_space<vmem>> -> memref<4x4096xf32, #tpu.memory_space<vmem>>
        %dma_start3A_692 = tpu.memref_slice %arg8[%mul3A_685] : memref<512xi32, #tpu.memory_space<vmem>> -> memref<4xi32, #tpu.memory_space<vmem>>
        %dma_start3A_693 = arith.constant 0 : i32
        %dma_start3A_694 = arith.constant 0 : i32
        %dma_start3A_695 = tpu.memref_slice %arg4[%dma_start3A_693, %dma_start3A_694] : memref<8192x4096xf32, #tpu.memory_space<hbm>> -> memref<8192x4096xf32, #tpu.memory_space<hbm>>
        tpu.enqueue_indirect_dma source(%dma_start3A_695 : memref<8192x4096xf32, #tpu.memory_space<hbm>>) target(%dma_start3A_691 : memref<4x4096xf32, #tpu.memory_space<vmem>>) offsets(%dma_start3A_692 : memref<4xi32, #tpu.memory_space<vmem>>) semaphore(%arg14 : memref<!tpu.dma_semaphore, #tpu.memory_space<semaphore_mem>>)
      } else {
      }
      %dma_wait3A_117 = arith.constant 0 : i32
      %dma_wait3A_118 = arith.constant 0 : i32
      %dma_wait3A_119 = arith.constant 0 : i32
      %dma_wait3A_120 = tpu.memref_slice %arg9[%dma_wait3A_117, %dma_wait3A_118, %dma_wait3A_119] : memref<3x4x4096xf32, #tpu.memory_space<vmem>> -> memref<1x4x4096xf32, #tpu.memory_space<vmem>>
      %dma_wait3A_121 = tpu.memref_squeeze %dma_wait3A_120 : memref<1x4x4096xf32, #tpu.memory_space<vmem>> -> memref<4x4096xf32, #tpu.memory_space<vmem>>
      %dma_wait3A_122 = arith.constant 0 : i32
      %dma_wait3A_123 = tpu.memref_slice %arg2[%mul3A_2, %dma_wait3A_122] : memref<8192x4096xf32, #tpu.memory_space<hbm>> -> memref<4x4096xf32, #tpu.memory_space<hbm>>
      %dma_wait3A_124 = arith.constant 0 : i32
      %dma_wait3A_125 = arith.constant 0 : i32
      %dma_wait3A_126 = tpu.memref_slice %arg9[%dma_wait3A_117, %dma_wait3A_124, %dma_wait3A_125] : memref<3x4x4096xf32, #tpu.memory_space<vmem>> -> memref<1x4x4096xf32, #tpu.memory_space<vmem>>
      %dma_wait3A_127 = tpu.memref_squeeze %dma_wait3A_126 : memref<1x4x4096xf32, #tpu.memory_space<vmem>> -> memref<4x4096xf32, #tpu.memory_space<vmem>>
      %dma_wait3A_128 = arith.constant 0 : i32
      %dma_wait3A_129 = tpu.memref_slice %arg2[%mul3A_2, %dma_wait3A_128] : memref<8192x4096xf32, #tpu.memory_space<hbm>> -> memref<4x4096xf32, #tpu.memory_space<hbm>>
      tpu.wait_dma2 semaphore(%arg13 : memref<!tpu.dma_semaphore, #tpu.memory_space<semaphore_mem>>) src(%dma_wait3A_129 : memref<4x4096xf32, #tpu.memory_space<hbm>>) dst(%dma_wait3A_127 : memref<4x4096xf32, #tpu.memory_space<vmem>>)
      %dma_wait3A_130 = arith.constant 0 : i32
      %dma_wait3A_131 = arith.constant 0 : i32
      %dma_wait3A_132 = arith.constant 0 : i32
      %dma_wait3A_133 = tpu.memref_slice %arg10[%dma_wait3A_130, %dma_wait3A_131, %dma_wait3A_132] : memref<3x4x4096xf32, #tpu.memory_space<vmem>> -> memref<1x4x4096xf32, #tpu.memory_space<vmem>>
      %dma_wait3A_134 = tpu.memref_squeeze %dma_wait3A_133 : memref<1x4x4096xf32, #tpu.memory_space<vmem>> -> memref<4x4096xf32, #tpu.memory_space<vmem>>
      %dma_wait3A_135 = arith.constant 0 : i32
      %dma_wait3A_136 = tpu.memref_slice %arg2[%mul3A_2, %dma_wait3A_135] : memref<8192x4096xf32, #tpu.memory_space<hbm>> -> memref<4x4096xf32, #tpu.memory_space<hbm>>
      %dma_wait3A_137 = arith.constant 0 : i32
      %dma_wait3A_138 = arith.constant 0 : i32
      %dma_wait3A_139 = tpu.memref_slice %arg10[%dma_wait3A_130, %dma_wait3A_137, %dma_wait3A_138] : memref<3x4x4096xf32, #tpu.memory_space<vmem>> -> memref<1x4x4096xf32, #tpu.memory_space<vmem>>
      %dma_wait3A_140 = tpu.memref_squeeze %dma_wait3A_139 : memref<1x4x4096xf32, #tpu.memory_space<vmem>> -> memref<4x4096xf32, #tpu.memory_space<vmem>>
      %dma_wait3A_141 = arith.constant 0 : i32
      %dma_wait3A_142 = tpu.memref_slice %arg2[%mul3A_2, %dma_wait3A_141] : memref<8192x4096xf32, #tpu.memory_space<hbm>> -> memref<4x4096xf32, #tpu.memory_space<hbm>>
      tpu.wait_dma2 semaphore(%arg14 : memref<!tpu.dma_semaphore, #tpu.memory_space<semaphore_mem>>) src(%dma_wait3A_142 : memref<4x4096xf32, #tpu.memory_space<hbm>>) dst(%dma_wait3A_140 : memref<4x4096xf32, #tpu.memory_space<vmem>>)
      %rem3A_143 = arith.constant 3 : i32
      %rem3A_144 = arith.remsi %scan3A_112, %rem3A_143 : i32
      %rem3A_145 = arith.constant 3 : i32
      %rem3A_146 = arith.remsi %scan3A_112, %rem3A_145 : i32
      %parallel_loop3A = arith.constant 0 : i32
      %parallel_loop3A_147 = arith.constant 256 : i32
      %parallel_loop3A_148 = arith.constant 2 : i32
      %parallel_loop3A_149:8 = scf.for %parallel_loop3A_659 = %parallel_loop3A to %parallel_loop3A_147 step %parallel_loop3A_148 iter_args(%parallel_loop3A_660 = %broadcast_in_dim3A_10, %parallel_loop3A_661 = %broadcast_in_dim3A_10, %parallel_loop3A_662 = %broadcast_in_dim3A_10, %parallel_loop3A_663 = %broadcast_in_dim3A_10, %parallel_loop3A_664 = %broadcast_in_dim3A_10, %parallel_loop3A_665 = %broadcast_in_dim3A_10, %parallel_loop3A_666 = %broadcast_in_dim3A_10, %parallel_loop3A_667 = %broadcast_in_dim3A_10) -> (vector<16xf32>, vector<16xf32>, vector<16xf32>, vector<16xf32>, vector<16xf32>, vector<16xf32>, vector<16xf32>, vector<16xf32>)  : i32 {
        %parallel_loop3A_668 = arith.constant 0 : i32
        %parallel_loop3A_669 = arith.addi %parallel_loop3A_659, %parallel_loop3A_668 : i32
        %parallel_loop3A_670 = arith.constant 16 : i32
        %parallel_loop3A_671 = arith.muli %parallel_loop3A_669, %parallel_loop3A_670 : i32
        %parallel_loop3A_672 = arith.constant 0 : i32
        %parallel_loop3A_673 = arith.index_cast %rem3A_144 : i32 to index
        %parallel_loop3A_674 = arith.index_cast %parallel_loop3A_672 : i32 to index
        %parallel_loop3A_675 = arith.index_cast %parallel_loop3A_671 : i32 to index
        %parallel_loop3A_676 = tpu.vector_load %arg9[%parallel_loop3A_673, %parallel_loop3A_674, %parallel_loop3A_675] {strides = array<i32>} : memref<3x4x4096xf32, #tpu.memory_space<vmem>>, vector<1x1x16xf32>,
        %parallel_loop3A_677 = vector.shape_cast %parallel_loop3A_676 : vector<1x1x16xf32> to vector<16xf32>
        %parallel_loop3A_678 = arith.constant 0 : i32
        %parallel_loop3A_679 = arith.index_cast %rem3A_146 : i32 to index
        %parallel_loop3A_680 = arith.index_cast %parallel_loop3A_678 : i32 to index
        %parallel_loop3A_681 = arith.index_cast %parallel_loop3A_671 : i32 to index
        %parallel_loop3A_682 = tpu.vector_load %arg10[%parallel_loop3A_679, %parallel_loop3A_680, %parallel_loop3A_681] {strides = array<i32>} : memref<3x4x4096xf32, #tpu.memory_space<vmem>>, vector<1x1x16xf32>,
        %parallel_loop3A_683 = vector.shape_cast %parallel_loop3A_682 : vector<1x1x16xf32> to vector<16xf32>
        %parallel_loop3A_684 = arith.addf %parallel_loop3A_677, %parallel_loop3A_683 : vector<16xf32>
        %parallel_loop3A_685 = arith.constant 0 : i32
        %parallel_loop3A_686 = arith.index_cast %rem3A_144 : i32 to index
        %parallel_loop3A_687 = arith.index_cast %parallel_loop3A_685 : i32 to index
        %parallel_loop3A_688 = arith.index_cast %parallel_loop3A_671 : i32 to index
        %parallel_loop3A_689 = tpu.vector_load %arg9[%parallel_loop3A_686, %parallel_loop3A_687, %parallel_loop3A_688] {strides = array<i32>} : memref<3x4x4096xf32, #tpu.memory_space<vmem>>, vector<1x1x16xf32>,
        %parallel_loop3A_690 = vector.shape_cast %parallel_loop3A_689 : vector<1x1x16xf32> to vector<16xf32>
        %parallel_loop3A_691 = vector.shape_cast %parallel_loop3A_684 : vector<16xf32> to vector<1x1x16xf32>
        tpu.vector_store %arg9[%parallel_loop3A_686, %parallel_loop3A_687, %parallel_loop3A_688], %parallel_loop3A_691 {strides = array<i32>} : memref<3x4x4096xf32, #tpu.memory_space<vmem>>, vector<1x1x16xf32>,
        %parallel_loop3A_692 = arith.addf %parallel_loop3A_660, %parallel_loop3A_684 : vector<16xf32>
        %parallel_loop3A_693 = arith.mulf %parallel_loop3A_684, %parallel_loop3A_684 : vector<16xf32>
        %parallel_loop3A_694 = arith.addf %parallel_loop3A_664, %parallel_loop3A_693 : vector<16xf32>
        %parallel_loop3A_695 = arith.constant 0 : i32
        %parallel_loop3A_696 = arith.addi %parallel_loop3A_659, %parallel_loop3A_695 : i32
        %parallel_loop3A_697 = arith.constant 16 : i32
        %parallel_loop3A_698 = arith.muli %parallel_loop3A_696, %parallel_loop3A_697 : i32
        %parallel_loop3A_699 = arith.constant 1 : i32
        %parallel_loop3A_700 = arith.index_cast %rem3A_144 : i32 to index
        %parallel_loop3A_701 = arith.index_cast %parallel_loop3A_699 : i32 to index
        %parallel_loop3A_702 = arith.index_cast %parallel_loop3A_698 : i32 to index
        %parallel_loop3A_703 = tpu.vector_load %arg9[%parallel_loop3A_700, %parallel_loop3A_701, %parallel_loop3A_702] {strides = array<i32>} : memref<3x4x4096xf32, #tpu.memory_space<vmem>>, vector<1x1x16xf32>,
        %parallel_loop3A_704 = vector.shape_cast %parallel_loop3A_703 : vector<1x1x16xf32> to vector<16xf32>
        %parallel_loop3A_705 = arith.constant 1 : i32
        %parallel_loop3A_706 = arith.index_cast %rem3A_146 : i32 to index
        %parallel_loop3A_707 = arith.index_cast %parallel_loop3A_705 : i32 to index
        %parallel_loop3A_708 = arith.index_cast %parallel_loop3A_698 : i32 to index
        %parallel_loop3A_709 = tpu.vector_load %arg10[%parallel_loop3A_706, %parallel_loop3A_707, %parallel_loop3A_708] {strides = array<i32>} : memref<3x4x4096xf32, #tpu.memory_space<vmem>>, vector<1x1x16xf32>,
        %parallel_loop3A_710 = vector.shape_cast %parallel_loop3A_709 : vector<1x1x16xf32> to vector<16xf32>
        %parallel_loop3A_711 = arith.addf %parallel_loop3A_704, %parallel_loop3A_710 : vector<16xf32>
        %parallel_loop3A_712 = arith.constant 1 : i32
        %parallel_loop3A_713 = arith.index_cast %rem3A_144 : i32 to index
        %parallel_loop3A_714 = arith.index_cast %parallel_loop3A_712 : i32 to index
        %parallel_loop3A_715 = arith.index_cast %parallel_loop3A_698 : i32 to index
        %parallel_loop3A_716 = tpu.vector_load %arg9[%parallel_loop3A_713, %parallel_loop3A_714, %parallel_loop3A_715] {strides = array<i32>} : memref<3x4x4096xf32, #tpu.memory_space<vmem>>, vector<1x1x16xf32>,
        %parallel_loop3A_717 = vector.shape_cast %parallel_loop3A_716 : vector<1x1x16xf32> to vector<16xf32>
        %parallel_loop3A_718 = vector.shape_cast %parallel_loop3A_711 : vector<16xf32> to vector<1x1x16xf32>
        tpu.vector_store %arg9[%parallel_loop3A_713, %parallel_loop3A_714, %parallel_loop3A_715], %parallel_loop3A_718 {strides = array<i32>} : memref<3x4x4096xf32, #tpu.memory_space<vmem>>, vector<1x1x16xf32>,
        %parallel_loop3A_719 = arith.addf %parallel_loop3A_661, %parallel_loop3A_711 : vector<16xf32>
        %parallel_loop3A_720 = arith.mulf %parallel_loop3A_711, %parallel_loop3A_711 : vector<16xf32>
        %parallel_loop3A_721 = arith.addf %parallel_loop3A_665, %parallel_loop3A_720 : vector<16xf32>
        %parallel_loop3A_722 = arith.constant 0 : i32
        %parallel_loop3A_723 = arith.addi %parallel_loop3A_659, %parallel_loop3A_722 : i32
        %parallel_loop3A_724 = arith.constant 16 : i32
        %parallel_loop3A_725 = arith.muli %parallel_loop3A_723, %parallel_loop3A_724 : i32
        %parallel_loop3A_726 = arith.constant 2 : i32
        %parallel_loop3A_727 = arith.index_cast %rem3A_144 : i32 to index
        %parallel_loop3A_728 = arith.index_cast %parallel_loop3A_726 : i32 to index
        %parallel_loop3A_729 = arith.index_cast %parallel_loop3A_725 : i32 to index
        %parallel_loop3A_730 = tpu.vector_load %arg9[%parallel_loop3A_727, %parallel_loop3A_728, %parallel_loop3A_729] {strides = array<i32>} : memref<3x4x4096xf32, #tpu.memory_space<vmem>>, vector<1x1x16xf32>,
        %parallel_loop3A_731 = vector.shape_cast %parallel_loop3A_730 : vector<1x1x16xf32> to vector<16xf32>
        %parallel_loop3A_732 = arith.constant 2 : i32
        %parallel_loop3A_733 = arith.index_cast %rem3A_146 : i32 to index
        %parallel_loop3A_734 = arith.index_cast %parallel_loop3A_732 : i32 to index
        %parallel_loop3A_735 = arith.index_cast %parallel_loop3A_725 : i32 to index
        %parallel_loop3A_736 = tpu.vector_load %arg10[%parallel_loop3A_733, %parallel_loop3A_734, %parallel_loop3A_735] {strides = array<i32>} : memref<3x4x4096xf32, #tpu.memory_space<vmem>>, vector<1x1x16xf32>,
        %parallel_loop3A_737 = vector.shape_cast %parallel_loop3A_736 : vector<1x1x16xf32> to vector<16xf32>
        %parallel_loop3A_738 = arith.addf %parallel_loop3A_731, %parallel_loop3A_737 : vector<16xf32>
        %parallel_loop3A_739 = arith.constant 2 : i32
        %parallel_loop3A_740 = arith.index_cast %rem3A_144 : i32 to index
        %parallel_loop3A_741 = arith.index_cast %parallel_loop3A_739 : i32 to index
        %parallel_loop3A_742 = arith.index_cast %parallel_loop3A_725 : i32 to index
        %parallel_loop3A_743 = tpu.vector_load %arg9[%parallel_loop3A_740, %parallel_loop3A_741, %parallel_loop3A_742] {strides = array<i32>} : memref<3x4x4096xf32, #tpu.memory_space<vmem>>, vector<1x1x16xf32>,
        %parallel_loop3A_744 = vector.shape_cast %parallel_loop3A_743 : vector<1x1x16xf32> to vector<16xf32>
        %parallel_loop3A_745 = vector.shape_cast %parallel_loop3A_738 : vector<16xf32> to vector<1x1x16xf32>
        tpu.vector_store %arg9[%parallel_loop3A_740, %parallel_loop3A_741, %parallel_loop3A_742], %parallel_loop3A_745 {strides = array<i32>} : memref<3x4x4096xf32, #tpu.memory_space<vmem>>, vector<1x1x16xf32>,
        %parallel_loop3A_746 = arith.addf %parallel_loop3A_662, %parallel_loop3A_738 : vector<16xf32>
        %parallel_loop3A_747 = arith.mulf %parallel_loop3A_738, %parallel_loop3A_738 : vector<16xf32>
        %parallel_loop3A_748 = arith.addf %parallel_loop3A_666, %parallel_loop3A_747 : vector<16xf32>
        %parallel_loop3A_749 = arith.constant 0 : i32
        %parallel_loop3A_750 = arith.addi %parallel_loop3A_659, %parallel_loop3A_749 : i32
        %parallel_loop3A_751 = arith.constant 16 : i32
        %parallel_loop3A_752 = arith.muli %parallel_loop3A_750, %parallel_loop3A_751 : i32
        %parallel_loop3A_753 = arith.constant 3 : i32
        %parallel_loop3A_754 = arith.index_cast %rem3A_144 : i32 to index
        %parallel_loop3A_755 = arith.index_cast %parallel_loop3A_753 : i32 to index
        %parallel_loop3A_756 = arith.index_cast %parallel_loop3A_752 : i32 to index
        %parallel_loop3A_757 = tpu.vector_load %arg9[%parallel_loop3A_754, %parallel_loop3A_755, %parallel_loop3A_756] {strides = array<i32>} : memref<3x4x4096xf32, #tpu.memory_space<vmem>>, vector<1x1x16xf32>,
        %parallel_loop3A_758 = vector.shape_cast %parallel_loop3A_757 : vector<1x1x16xf32> to vector<16xf32>
        %parallel_loop3A_759 = arith.constant 3 : i32
        %parallel_loop3A_760 = arith.index_cast %rem3A_146 : i32 to index
        %parallel_loop3A_761 = arith.index_cast %parallel_loop3A_759 : i32 to index
        %parallel_loop3A_762 = arith.index_cast %parallel_loop3A_752 : i32 to index
        %parallel_loop3A_763 = tpu.vector_load %arg10[%parallel_loop3A_760, %parallel_loop3A_761, %parallel_loop3A_762] {strides = array<i32>} : memref<3x4x4096xf32, #tpu.memory_space<vmem>>, vector<1x1x16xf32>,
        %parallel_loop3A_764 = vector.shape_cast %parallel_loop3A_763 : vector<1x1x16xf32> to vector<16xf32>
        %parallel_loop3A_765 = arith.addf %parallel_loop3A_758, %parallel_loop3A_764 : vector<16xf32>
        %parallel_loop3A_766 = arith.constant 3 : i32
        %parallel_loop3A_767 = arith.index_cast %rem3A_144 : i32 to index
        %parallel_loop3A_768 = arith.index_cast %parallel_loop3A_766 : i32 to index
        %parallel_loop3A_769 = arith.index_cast %parallel_loop3A_752 : i32 to index
        %parallel_loop3A_770 = tpu.vector_load %arg9[%parallel_loop3A_767, %parallel_loop3A_768, %parallel_loop3A_769] {strides = array<i32>} : memref<3x4x4096xf32, #tpu.memory_space<vmem>>, vector<1x1x16xf32>,
        %parallel_loop3A_771 = vector.shape_cast %parallel_loop3A_770 : vector<1x1x16xf32> to vector<16xf32>
        %parallel_loop3A_772 = vector.shape_cast %parallel_loop3A_765 : vector<16xf32> to vector<1x1x16xf32>
        tpu.vector_store %arg9[%parallel_loop3A_767, %parallel_loop3A_768, %parallel_loop3A_769], %parallel_loop3A_772 {strides = array<i32>} : memref<3x4x4096xf32, #tpu.memory_space<vmem>>, vector<1x1x16xf32>,
        %parallel_loop3A_773 = arith.addf %parallel_loop3A_663, %parallel_loop3A_765 : vector<16xf32>
        %parallel_loop3A_774 = arith.mulf %parallel_loop3A_765, %parallel_loop3A_765 : vector<16xf32>
        %parallel_loop3A_775 = arith.addf %parallel_loop3A_667, %parallel_loop3A_774 : vector<16xf32>
        %parallel_loop3A_776 = arith.constant 1 : i32
        %parallel_loop3A_777 = arith.addi %parallel_loop3A_659, %parallel_loop3A_776 : i32
        %parallel_loop3A_778 = arith.constant 16 : i32
        %parallel_loop3A_779 = arith.muli %parallel_loop3A_777, %parallel_loop3A_778 : i32
        %parallel_loop3A_780 = arith.constant 0 : i32
        %parallel_loop3A_781 = arith.index_cast %rem3A_144 : i32 to index
        %parallel_loop3A_782 = arith.index_cast %parallel_loop3A_780 : i32 to index
        %parallel_loop3A_783 = arith.index_cast %parallel_loop3A_779 : i32 to index
        %parallel_loop3A_784 = tpu.vector_load %arg9[%parallel_loop3A_781, %parallel_loop3A_782, %parallel_loop3A_783] {strides = array<i32>} : memref<3x4x4096xf32, #tpu.memory_space<vmem>>, vector<1x1x16xf32>,
        %parallel_loop3A_785 = vector.shape_cast %parallel_loop3A_784 : vector<1x1x16xf32> to vector<16xf32>
        %parallel_loop3A_786 = arith.constant 0 : i32
        %parallel_loop3A_787 = arith.index_cast %rem3A_146 : i32 to index
        %parallel_loop3A_788 = arith.index_cast %parallel_loop3A_786 : i32 to index
        %parallel_loop3A_789 = arith.index_cast %parallel_loop3A_779 : i32 to index
        %parallel_loop3A_790 = tpu.vector_load %arg10[%parallel_loop3A_787, %parallel_loop3A_788, %parallel_loop3A_789] {strides = array<i32>} : memref<3x4x4096xf32, #tpu.memory_space<vmem>>, vector<1x1x16xf32>,
        %parallel_loop3A_791 = vector.shape_cast %parallel_loop3A_790 : vector<1x1x16xf32> to vector<16xf32>
        %parallel_loop3A_792 = arith.addf %parallel_loop3A_785, %parallel_loop3A_791 : vector<16xf32>
        %parallel_loop3A_793 = arith.constant 0 : i32
        %parallel_loop3A_794 = arith.index_cast %rem3A_144 : i32 to index
        %parallel_loop3A_795 = arith.index_cast %parallel_loop3A_793 : i32 to index
        %parallel_loop3A_796 = arith.index_cast %parallel_loop3A_779 : i32 to index
        %parallel_loop3A_797 = tpu.vector_load %arg9[%parallel_loop3A_794, %parallel_loop3A_795, %parallel_loop3A_796] {strides = array<i32>} : memref<3x4x4096xf32, #tpu.memory_space<vmem>>, vector<1x1x16xf32>,
        %parallel_loop3A_798 = vector.shape_cast %parallel_loop3A_797 : vector<1x1x16xf32> to vector<16xf32>
        %parallel_loop3A_799 = vector.shape_cast %parallel_loop3A_792 : vector<16xf32> to vector<1x1x16xf32>
        tpu.vector_store %arg9[%parallel_loop3A_794, %parallel_loop3A_795, %parallel_loop3A_796], %parallel_loop3A_799 {strides = array<i32>} : memref<3x4x4096xf32, #tpu.memory_space<vmem>>, vector<1x1x16xf32>,
        %parallel_loop3A_800 = arith.addf %parallel_loop3A_692, %parallel_loop3A_792 : vector<16xf32>
        %parallel_loop3A_801 = arith.mulf %parallel_loop3A_792, %parallel_loop3A_792 : vector<16xf32>
        %parallel_loop3A_802 = arith.addf %parallel_loop3A_694, %parallel_loop3A_801 : vector<16xf32>
        %parallel_loop3A_803 = arith.constant 1 : i32
        %parallel_loop3A_804 = arith.addi %parallel_loop3A_659, %parallel_loop3A_803 : i32
        %parallel_loop3A_805 = arith.constant 16 : i32
        %parallel_loop3A_806 = arith.muli %parallel_loop3A_804, %parallel_loop3A_805 : i32
        %parallel_loop3A_807 = arith.constant 1 : i32
        %parallel_loop3A_808 = arith.index_cast %rem3A_144 : i32 to index
        %parallel_loop3A_809 = arith.index_cast %parallel_loop3A_807 : i32 to index
        %parallel_loop3A_810 = arith.index_cast %parallel_loop3A_806 : i32 to index
        %parallel_loop3A_811 = tpu.vector_load %arg9[%parallel_loop3A_808, %parallel_loop3A_809, %parallel_loop3A_810] {strides = array<i32>} : memref<3x4x4096xf32, #tpu.memory_space<vmem>>, vector<1x1x16xf32>,
        %parallel_loop3A_812 = vector.shape_cast %parallel_loop3A_811 : vector<1x1x16xf32> to vector<16xf32>
        %parallel_loop3A_813 = arith.constant 1 : i32
        %parallel_loop3A_814 = arith.index_cast %rem3A_146 : i32 to index
        %parallel_loop3A_815 = arith.index_cast %parallel_loop3A_813 : i32 to index
        %parallel_loop3A_816 = arith.index_cast %parallel_loop3A_806 : i32 to index
        %parallel_loop3A_817 = tpu.vector_load %arg10[%parallel_loop3A_814, %parallel_loop3A_815, %parallel_loop3A_816] {strides = array<i32>} : memref<3x4x4096xf32, #tpu.memory_space<vmem>>, vector<1x1x16xf32>,
        %parallel_loop3A_818 = vector.shape_cast %parallel_loop3A_817 : vector<1x1x16xf32> to vector<16xf32>
        %parallel_loop3A_819 = arith.addf %parallel_loop3A_812, %parallel_loop3A_818 : vector<16xf32>
        %parallel_loop3A_820 = arith.constant 1 : i32
        %parallel_loop3A_821 = arith.index_cast %rem3A_144 : i32 to index
        %parallel_loop3A_822 = arith.index_cast %parallel_loop3A_820 : i32 to index
        %parallel_loop3A_823 = arith.index_cast %parallel_loop3A_806 : i32 to index
        %parallel_loop3A_824 = tpu.vector_load %arg9[%parallel_loop3A_821, %parallel_loop3A_822, %parallel_loop3A_823] {strides = array<i32>} : memref<3x4x4096xf32, #tpu.memory_space<vmem>>, vector<1x1x16xf32>,
        %parallel_loop3A_825 = vector.shape_cast %parallel_loop3A_824 : vector<1x1x16xf32> to vector<16xf32>
        %parallel_loop3A_826 = vector.shape_cast %parallel_loop3A_819 : vector<16xf32> to vector<1x1x16xf32>
        tpu.vector_store %arg9[%parallel_loop3A_821, %parallel_loop3A_822, %parallel_loop3A_823], %parallel_loop3A_826 {strides = array<i32>} : memref<3x4x4096xf32, #tpu.memory_space<vmem>>, vector<1x1x16xf32>,
        %parallel_loop3A_827 = arith.addf %parallel_loop3A_719, %parallel_loop3A_819 : vector<16xf32>
        %parallel_loop3A_828 = arith.mulf %parallel_loop3A_819, %parallel_loop3A_819 : vector<16xf32>
        %parallel_loop3A_829 = arith.addf %parallel_loop3A_721, %parallel_loop3A_828 : vector<16xf32>
        %parallel_loop3A_830 = arith.constant 1 : i32
        %parallel_loop3A_831 = arith.addi %parallel_loop3A_659, %parallel_loop3A_830 : i32
        %parallel_loop3A_832 = arith.constant 16 : i32
        %parallel_loop3A_833 = arith.muli %parallel_loop3A_831, %parallel_loop3A_832 : i32
        %parallel_loop3A_834 = arith.constant 2 : i32
        %parallel_loop3A_835 = arith.index_cast %rem3A_144 : i32 to index
        %parallel_loop3A_836 = arith.index_cast %parallel_loop3A_834 : i32 to index
        %parallel_loop3A_837 = arith.index_cast %parallel_loop3A_833 : i32 to index
        %parallel_loop3A_838 = tpu.vector_load %arg9[%parallel_loop3A_835, %parallel_loop3A_836, %parallel_loop3A_837] {strides = array<i32>} : memref<3x4x4096xf32, #tpu.memory_space<vmem>>, vector<1x1x16xf32>,
        %parallel_loop3A_839 = vector.shape_cast %parallel_loop3A_838 : vector<1x1x16xf32> to vector<16xf32>
        %parallel_loop3A_840 = arith.constant 2 : i32
        %parallel_loop3A_841 = arith.index_cast %rem3A_146 : i32 to index
        %parallel_loop3A_842 = arith.index_cast %parallel_loop3A_840 : i32 to index
        %parallel_loop3A_843 = arith.index_cast %parallel_loop3A_833 : i32 to index
        %parallel_loop3A_844 = tpu.vector_load %arg10[%parallel_loop3A_841, %parallel_loop3A_842, %parallel_loop3A_843] {strides = array<i32>} : memref<3x4x4096xf32, #tpu.memory_space<vmem>>, vector<1x1x16xf32>,
        %parallel_loop3A_845 = vector.shape_cast %parallel_loop3A_844 : vector<1x1x16xf32> to vector<16xf32>
        %parallel_loop3A_846 = arith.addf %parallel_loop3A_839, %parallel_loop3A_845 : vector<16xf32>
        %parallel_loop3A_847 = arith.constant 2 : i32
        %parallel_loop3A_848 = arith.index_cast %rem3A_144 : i32 to index
        %parallel_loop3A_849 = arith.index_cast %parallel_loop3A_847 : i32 to index
        %parallel_loop3A_850 = arith.index_cast %parallel_loop3A_833 : i32 to index
        %parallel_loop3A_851 = tpu.vector_load %arg9[%parallel_loop3A_848, %parallel_loop3A_849, %parallel_loop3A_850] {strides = array<i32>} : memref<3x4x4096xf32, #tpu.memory_space<vmem>>, vector<1x1x16xf32>,
        %parallel_loop3A_852 = vector.shape_cast %parallel_loop3A_851 : vector<1x1x16xf32> to vector<16xf32>
        %parallel_loop3A_853 = vector.shape_cast %parallel_loop3A_846 : vector<16xf32> to vector<1x1x16xf32>
        tpu.vector_store %arg9[%parallel_loop3A_848, %parallel_loop3A_849, %parallel_loop3A_850], %parallel_loop3A_853 {strides = array<i32>} : memref<3x4x4096xf32, #tpu.memory_space<vmem>>, vector<1x1x16xf32>,
        %parallel_loop3A_854 = arith.addf %parallel_loop3A_746, %parallel_loop3A_846 : vector<16xf32>
        %parallel_loop3A_855 = arith.mulf %parallel_loop3A_846, %parallel_loop3A_846 : vector<16xf32>
        %parallel_loop3A_856 = arith.addf %parallel_loop3A_748, %parallel_loop3A_855 : vector<16xf32>
        %parallel_loop3A_857 = arith.constant 1 : i32
        %parallel_loop3A_858 = arith.addi %parallel_loop3A_659, %parallel_loop3A_857 : i32
        %parallel_loop3A_859 = arith.constant 16 : i32
        %parallel_loop3A_860 = arith.muli %parallel_loop3A_858, %parallel_loop3A_859 : i32
        %parallel_loop3A_861 = arith.constant 3 : i32
        %parallel_loop3A_862 = arith.index_cast %rem3A_144 : i32 to index
        %parallel_loop3A_863 = arith.index_cast %parallel_loop3A_861 : i32 to index
        %parallel_loop3A_864 = arith.index_cast %parallel_loop3A_860 : i32 to index
        %parallel_loop3A_865 = tpu.vector_load %arg9[%parallel_loop3A_862, %parallel_loop3A_863, %parallel_loop3A_864] {strides = array<i32>} : memref<3x4x4096xf32, #tpu.memory_space<vmem>>, vector<1x1x16xf32>,
        %parallel_loop3A_866 = vector.shape_cast %parallel_loop3A_865 : vector<1x1x16xf32> to vector<16xf32>
        %parallel_loop3A_867 = arith.constant 3 : i32
        %parallel_loop3A_868 = arith.index_cast %rem3A_146 : i32 to index
        %parallel_loop3A_869 = arith.index_cast %parallel_loop3A_867 : i32 to index
        %parallel_loop3A_870 = arith.index_cast %parallel_loop3A_860 : i32 to index
        %parallel_loop3A_871 = tpu.vector_load %arg10[%parallel_loop3A_868, %parallel_loop3A_869, %parallel_loop3A_870] {strides = array<i32>} : memref<3x4x4096xf32, #tpu.memory_space<vmem>>, vector<1x1x16xf32>,
        %parallel_loop3A_872 = vector.shape_cast %parallel_loop3A_871 : vector<1x1x16xf32> to vector<16xf32>
        %parallel_loop3A_873 = arith.addf %parallel_loop3A_866, %parallel_loop3A_872 : vector<16xf32>
        %parallel_loop3A_874 = arith.constant 3 : i32
        %parallel_loop3A_875 = arith.index_cast %rem3A_144 : i32 to index
        %parallel_loop3A_876 = arith.index_cast %parallel_loop3A_874 : i32 to index
        %parallel_loop3A_877 = arith.index_cast %parallel_loop3A_860 : i32 to index
        %parallel_loop3A_878 = tpu.vector_load %arg9[%parallel_loop3A_875, %parallel_loop3A_876, %parallel_loop3A_877] {strides = array<i32>} : memref<3x4x4096xf32, #tpu.memory_space<vmem>>, vector<1x1x16xf32>,
        %parallel_loop3A_879 = vector.shape_cast %parallel_loop3A_878 : vector<1x1x16xf32> to vector<16xf32>
        %parallel_loop3A_880 = vector.shape_cast %parallel_loop3A_873 : vector<16xf32> to vector<1x1x16xf32>
        tpu.vector_store %arg9[%parallel_loop3A_875, %parallel_loop3A_876, %parallel_loop3A_877], %parallel_loop3A_880 {strides = array<i32>} : memref<3x4x4096xf32, #tpu.memory_space<vmem>>, vector<1x1x16xf32>,
        %parallel_loop3A_881 = arith.addf %parallel_loop3A_773, %parallel_loop3A_873 : vector<16xf32>
        %parallel_loop3A_882 = arith.mulf %parallel_loop3A_873, %parallel_loop3A_873 : vector<16xf32>
        %parallel_loop3A_883 = arith.addf %parallel_loop3A_775, %parallel_loop3A_882 : vector<16xf32>
        scf.yield %parallel_loop3A_800, %parallel_loop3A_827, %parallel_loop3A_854, %parallel_loop3A_881, %parallel_loop3A_802, %parallel_loop3A_829, %parallel_loop3A_856, %parallel_loop3A_883 : vector<16xf32>, vector<16xf32>, vector<16xf32>, vector<16xf32>, vector<16xf32>, vector<16xf32>, vector<16xf32>, vector<16xf32>
      } {sc.loop_unroll_factor = 2 : i64, sc.parallel_access}
      %iota3A = tpu.iota {dimensions = array<i32: 0>} : vector<16xi32>
      %add3A_150 = arith.constant 1 : i32
      %add3A_151 = vector.broadcast %add3A_150 : i32 to vector<16xi32>
      %add3A_152 = arith.addi %iota3A, %add3A_151 : vector<16xi32>
      %and3A = arith.constant 15 : i32
      %and3A_153 = vector.broadcast %and3A : i32 to vector<16xi32>
      %and3A_154 = arith.andi %add3A_152, %and3A_153 : vector<16xi32>
      %broadcast_in_dim3A_155 = vector.shape_cast %and3A_154 : vector<16xi32> to vector<16x1xi32>
      %gather3A = vector.shape_cast %broadcast_in_dim3A_155 : vector<16x1xi32> to vector<16xi32>
      %gather3A_156 = tpu.dynamic_gather %parallel_loop3A_149#0[%gather3A] in [0] : vector<16xf32>, vector<16xi32> -> vector<16xf32>
      %add3A_157 = arith.addf %parallel_loop3A_149#0, %gather3A_156 : vector<16xf32>
      %add3A_158 = arith.constant 2 : i32
      %add3A_159 = vector.broadcast %add3A_158 : i32 to vector<16xi32>
      %add3A_160 = arith.addi %iota3A, %add3A_159 : vector<16xi32>
      %and3A_161 = arith.constant 15 : i32
      %and3A_162 = vector.broadcast %and3A_161 : i32 to vector<16xi32>
      %and3A_163 = arith.andi %add3A_160, %and3A_162 : vector<16xi32>
      %broadcast_in_dim3A_164 = vector.shape_cast %and3A_163 : vector<16xi32> to vector<16x1xi32>
      %gather3A_165 = vector.shape_cast %broadcast_in_dim3A_164 : vector<16x1xi32> to vector<16xi32>
      %gather3A_166 = tpu.dynamic_gather %add3A_157[%gather3A_165] in [0] : vector<16xf32>, vector<16xi32> -> vector<16xf32>
      %add3A_167 = arith.addf %add3A_157, %gather3A_166 : vector<16xf32>
      %add3A_168 = arith.constant 4 : i32
      %add3A_169 = vector.broadcast %add3A_168 : i32 to vector<16xi32>
      %add3A_170 = arith.addi %iota3A, %add3A_169 : vector<16xi32>
      %and3A_171 = arith.constant 15 : i32
      %and3A_172 = vector.broadcast %and3A_171 : i32 to vector<16xi32>
      %and3A_173 = arith.andi %add3A_170, %and3A_172 : vector<16xi32>
      %broadcast_in_dim3A_174 = vector.shape_cast %and3A_173 : vector<16xi32> to vector<16x1xi32>
      %gather3A_175 = vector.shape_cast %broadcast_in_dim3A_174 : vector<16x1xi32> to vector<16xi32>
      %gather3A_176 = tpu.dynamic_gather %add3A_167[%gather3A_175] in [0] : vector<16xf32>, vector<16xi32> -> vector<16xf32>
      %add3A_177 = arith.addf %add3A_167, %gather3A_176 : vector<16xf32>
      %add3A_178 = arith.constant 8 : i32
      %add3A_179 = vector.broadcast %add3A_178 : i32 to vector<16xi32>
      %add3A_180 = arith.addi %iota3A, %add3A_179 : vector<16xi32>
      %and3A_181 = arith.constant 15 : i32
      %and3A_182 = vector.broadcast %and3A_181 : i32 to vector<16xi32>
      %and3A_183 = arith.andi %add3A_180, %and3A_182 : vector<16xi32>
      %broadcast_in_dim3A_184 = vector.shape_cast %and3A_183 : vector<16xi32> to vector<16x1xi32>
      %gather3A_185 = vector.shape_cast %broadcast_in_dim3A_184 : vector<16x1xi32> to vector<16xi32>
      %gather3A_186 = tpu.dynamic_gather %add3A_177[%gather3A_185] in [0] : vector<16xf32>, vector<16xi32> -> vector<16xf32>
      %add3A_187 = arith.addf %add3A_177, %gather3A_186 : vector<16xf32>
      %mul3A_188 = vector.broadcast %scan3A_68 : f32 to vector<16xf32>
      %mul3A_189 = arith.mulf %add3A_187, %mul3A_188 : vector<16xf32>
      %iota3A_190 = tpu.iota {dimensions = array<i32: 0>} : vector<16xi32>
      %add3A_191 = arith.constant 1 : i32
      %add3A_192 = vector.broadcast %add3A_191 : i32 to vector<16xi32>
      %add3A_193 = arith.addi %iota3A_190, %add3A_192 : vector<16xi32>
      %and3A_194 = arith.constant 15 : i32
      %and3A_195 = vector.broadcast %and3A_194 : i32 to vector<16xi32>
      %and3A_196 = arith.andi %add3A_193, %and3A_195 : vector<16xi32>
      %broadcast_in_dim3A_197 = vector.shape_cast %and3A_196 : vector<16xi32> to vector<16x1xi32>
      %gather3A_198 = vector.shape_cast %broadcast_in_dim3A_197 : vector<16x1xi32> to vector<16xi32>
      %gather3A_199 = tpu.dynamic_gather %parallel_loop3A_149#4[%gather3A_198] in [0] : vector<16xf32>, vector<16xi32> -> vector<16xf32>
      %add3A_200 = arith.addf %parallel_loop3A_149#4, %gather3A_199 : vector<16xf32>
      %add3A_201 = arith.constant 2 : i32
      %add3A_202 = vector.broadcast %add3A_201 : i32 to vector<16xi32>
      %add3A_203 = arith.addi %iota3A_190, %add3A_202 : vector<16xi32>
      %and3A_204 = arith.constant 15 : i32
      %and3A_205 = vector.broadcast %and3A_204 : i32 to vector<16xi32>
      %and3A_206 = arith.andi %add3A_203, %and3A_205 : vector<16xi32>
      %broadcast_in_dim3A_207 = vector.shape_cast %and3A_206 : vector<16xi32> to vector<16x1xi32>
      %gather3A_208 = vector.shape_cast %broadcast_in_dim3A_207 : vector<16x1xi32> to vector<16xi32>
      %gather3A_209 = tpu.dynamic_gather %add3A_200[%gather3A_208] in [0] : vector<16xf32>, vector<16xi32> -> vector<16xf32>
      %add3A_210 = arith.addf %add3A_200, %gather3A_209 : vector<16xf32>
      %add3A_211 = arith.constant 4 : i32
      %add3A_212 = vector.broadcast %add3A_211 : i32 to vector<16xi32>
      %add3A_213 = arith.addi %iota3A_190, %add3A_212 : vector<16xi32>
      %and3A_214 = arith.constant 15 : i32
      %and3A_215 = vector.broadcast %and3A_214 : i32 to vector<16xi32>
      %and3A_216 = arith.andi %add3A_213, %and3A_215 : vector<16xi32>
      %broadcast_in_dim3A_217 = vector.shape_cast %and3A_216 : vector<16xi32> to vector<16x1xi32>
      %gather3A_218 = vector.shape_cast %broadcast_in_dim3A_217 : vector<16x1xi32> to vector<16xi32>
      %gather3A_219 = tpu.dynamic_gather %add3A_210[%gather3A_218] in [0] : vector<16xf32>, vector<16xi32> -> vector<16xf32>
      %add3A_220 = arith.addf %add3A_210, %gather3A_219 : vector<16xf32>
      %add3A_221 = arith.constant 8 : i32
      %add3A_222 = vector.broadcast %add3A_221 : i32 to vector<16xi32>
      %add3A_223 = arith.addi %iota3A_190, %add3A_222 : vector<16xi32>
      %and3A_224 = arith.constant 15 : i32
      %and3A_225 = vector.broadcast %and3A_224 : i32 to vector<16xi32>
      %and3A_226 = arith.andi %add3A_223, %and3A_225 : vector<16xi32>
      %broadcast_in_dim3A_227 = vector.shape_cast %and3A_226 : vector<16xi32> to vector<16x1xi32>
      %gather3A_228 = vector.shape_cast %broadcast_in_dim3A_227 : vector<16x1xi32> to vector<16xi32>
      %gather3A_229 = tpu.dynamic_gather %add3A_220[%gather3A_228] in [0] : vector<16xf32>, vector<16xi32> -> vector<16xf32>
      %add3A_230 = arith.addf %add3A_220, %gather3A_229 : vector<16xf32>
      %mul3A_231 = vector.broadcast %scan3A_68 : f32 to vector<16xf32>
      %mul3A_232 = arith.mulf %add3A_230, %mul3A_231 : vector<16xf32>
      %mul3A_233 = arith.mulf %mul3A_189, %mul3A_189 : vector<16xf32>
      %sub3A = arith.subf %mul3A_232, %mul3A_233 : vector<16xf32>
      %add3A_234 = arith.constant 9.99999974E-6 : f32
      %add3A_235 = vector.broadcast %add3A_234 : f32 to vector<16xf32>
      %add3A_236 = arith.addf %sub3A, %add3A_235 : vector<16xf32>
      %bitcast_convert_type3A = tpu.bitcast %add3A_236 : vector<16xf32> -> vector<16xi32>
      %shift_right_arithmetic3A = arith.constant 1 : i32
      %shift_right_arithmetic3A_237 = vector.broadcast %shift_right_arithmetic3A : i32 to vector<16xi32>
      %shift_right_arithmetic3A_238 = arith.shrsi %bitcast_convert_type3A, %shift_right_arithmetic3A_237 : vector<16xi32>
      %sub3A_239 = arith.constant 1597463007 : i32
      %sub3A_240 = vector.broadcast %sub3A_239 : i32 to vector<16xi32>
      %sub3A_241 = arith.subi %sub3A_240, %shift_right_arithmetic3A_238 : vector<16xi32>
      %bitcast_convert_type3A_242 = tpu.bitcast %sub3A_241 : vector<16xi32> -> vector<16xf32>
      %mul3A_243 = arith.constant 5.000000e-01 : f32
      %mul3A_244 = vector.broadcast %mul3A_243 : f32 to vector<16xf32>
      %mul3A_245 = arith.mulf %mul3A_244, %add3A_236 : vector<16xf32>
      %mul3A_246 = arith.mulf %mul3A_245, %bitcast_convert_type3A_242 : vector<16xf32>
      %mul3A_247 = arith.mulf %mul3A_246, %bitcast_convert_type3A_242 : vector<16xf32>
      %sub3A_248 = arith.constant 1.500000e+00 : f32
      %sub3A_249 = vector.broadcast %sub3A_248 : f32 to vector<16xf32>
      %sub3A_250 = arith.subf %sub3A_249, %mul3A_247 : vector<16xf32>
      %mul3A_251 = arith.mulf %bitcast_convert_type3A_242, %sub3A_250 : vector<16xf32>
      %mul3A_252 = arith.mulf %mul3A_245, %mul3A_251 : vector<16xf32>
      %mul3A_253 = arith.mulf %mul3A_252, %mul3A_251 : vector<16xf32>
      %sub3A_254 = arith.constant 1.500000e+00 : f32
      %sub3A_255 = vector.broadcast %sub3A_254 : f32 to vector<16xf32>
      %sub3A_256 = arith.subf %sub3A_255, %mul3A_253 : vector<16xf32>
      %mul3A_257 = arith.mulf %mul3A_251, %sub3A_256 : vector<16xf32>
      %mul3A_258 = arith.mulf %mul3A_245, %mul3A_257 : vector<16xf32>
      %mul3A_259 = arith.mulf %mul3A_258, %mul3A_257 : vector<16xf32>
      %sub3A_260 = arith.constant 1.500000e+00 : f32
      %sub3A_261 = vector.broadcast %sub3A_260 : f32 to vector<16xf32>
      %sub3A_262 = arith.subf %sub3A_261, %mul3A_259 : vector<16xf32>
      %mul3A_263 = arith.mulf %mul3A_257, %sub3A_262 : vector<16xf32>
      %neg3A = arith.constant 0.000000e+00 : f32
      %neg3A_264 = vector.broadcast %neg3A : f32 to vector<16xf32>
      %neg3A_265 = arith.subf %neg3A_264, %mul3A_189 : vector<16xf32>
      %mul3A_266 = arith.mulf %neg3A_265, %mul3A_263 : vector<16xf32>
      %iota3A_267 = tpu.iota {dimensions = array<i32: 0>} : vector<16xi32>
      %add3A_268 = arith.constant 1 : i32
      %add3A_269 = vector.broadcast %add3A_268 : i32 to vector<16xi32>
      %add3A_270 = arith.addi %iota3A_267, %add3A_269 : vector<16xi32>
      %and3A_271 = arith.constant 15 : i32
      %and3A_272 = vector.broadcast %and3A_271 : i32 to vector<16xi32>
      %and3A_273 = arith.andi %add3A_270, %and3A_272 : vector<16xi32>
      %broadcast_in_dim3A_274 = vector.shape_cast %and3A_273 : vector<16xi32> to vector<16x1xi32>
      %gather3A_275 = vector.shape_cast %broadcast_in_dim3A_274 : vector<16x1xi32> to vector<16xi32>
      %gather3A_276 = tpu.dynamic_gather %parallel_loop3A_149#1[%gather3A_275] in [0] : vector<16xf32>, vector<16xi32> -> vector<16xf32>
      %add3A_277 = arith.addf %parallel_loop3A_149#1, %gather3A_276 : vector<16xf32>
      %add3A_278 = arith.constant 2 : i32
      %add3A_279 = vector.broadcast %add3A_278 : i32 to vector<16xi32>
      %add3A_280 = arith.addi %iota3A_267, %add3A_279 : vector<16xi32>
      %and3A_281 = arith.constant 15 : i32
      %and3A_282 = vector.broadcast %and3A_281 : i32 to vector<16xi32>
      %and3A_283 = arith.andi %add3A_280, %and3A_282 : vector<16xi32>
      %broadcast_in_dim3A_284 = vector.shape_cast %and3A_283 : vector<16xi32> to vector<16x1xi32>
      %gather3A_285 = vector.shape_cast %broadcast_in_dim3A_284 : vector<16x1xi32> to vector<16xi32>
      %gather3A_286 = tpu.dynamic_gather %add3A_277[%gather3A_285] in [0] : vector<16xf32>, vector<16xi32> -> vector<16xf32>
      %add3A_287 = arith.addf %add3A_277, %gather3A_286 : vector<16xf32>
      %add3A_288 = arith.constant 4 : i32
      %add3A_289 = vector.broadcast %add3A_288 : i32 to vector<16xi32>
      %add3A_290 = arith.addi %iota3A_267, %add3A_289 : vector<16xi32>
      %and3A_291 = arith.constant 15 : i32
      %and3A_292 = vector.broadcast %and3A_291 : i32 to vector<16xi32>
      %and3A_293 = arith.andi %add3A_290, %and3A_292 : vector<16xi32>
      %broadcast_in_dim3A_294 = vector.shape_cast %and3A_293 : vector<16xi32> to vector<16x1xi32>
      %gather3A_295 = vector.shape_cast %broadcast_in_dim3A_294 : vector<16x1xi32> to vector<16xi32>
      %gather3A_296 = tpu.dynamic_gather %add3A_287[%gather3A_295] in [0] : vector<16xf32>, vector<16xi32> -> vector<16xf32>
      %add3A_297 = arith.addf %add3A_287, %gather3A_296 : vector<16xf32>
      %add3A_298 = arith.constant 8 : i32
      %add3A_299 = vector.broadcast %add3A_298 : i32 to vector<16xi32>
      %add3A_300 = arith.addi %iota3A_267, %add3A_299 : vector<16xi32>
      %and3A_301 = arith.constant 15 : i32
      %and3A_302 = vector.broadcast %and3A_301 : i32 to vector<16xi32>
      %and3A_303 = arith.andi %add3A_300, %and3A_302 : vector<16xi32>
      %broadcast_in_dim3A_304 = vector.shape_cast %and3A_303 : vector<16xi32> to vector<16x1xi32>
      %gather3A_305 = vector.shape_cast %broadcast_in_dim3A_304 : vector<16x1xi32> to vector<16xi32>
      %gather3A_306 = tpu.dynamic_gather %add3A_297[%gather3A_305] in [0] : vector<16xf32>, vector<16xi32> -> vector<16xf32>
      %add3A_307 = arith.addf %add3A_297, %gather3A_306 : vector<16xf32>
      %mul3A_308 = vector.broadcast %scan3A_68 : f32 to vector<16xf32>
      %mul3A_309 = arith.mulf %add3A_307, %mul3A_308 : vector<16xf32>
      %iota3A_310 = tpu.iota {dimensions = array<i32: 0>} : vector<16xi32>
      %add3A_311 = arith.constant 1 : i32
      %add3A_312 = vector.broadcast %add3A_311 : i32 to vector<16xi32>
      %add3A_313 = arith.addi %iota3A_310, %add3A_312 : vector<16xi32>
      %and3A_314 = arith.constant 15 : i32
      %and3A_315 = vector.broadcast %and3A_314 : i32 to vector<16xi32>
      %and3A_316 = arith.andi %add3A_313, %and3A_315 : vector<16xi32>
      %broadcast_in_dim3A_317 = vector.shape_cast %and3A_316 : vector<16xi32> to vector<16x1xi32>
      %gather3A_318 = vector.shape_cast %broadcast_in_dim3A_317 : vector<16x1xi32> to vector<16xi32>
      %gather3A_319 = tpu.dynamic_gather %parallel_loop3A_149#5[%gather3A_318] in [0] : vector<16xf32>, vector<16xi32> -> vector<16xf32>
      %add3A_320 = arith.addf %parallel_loop3A_149#5, %gather3A_319 : vector<16xf32>
      %add3A_321 = arith.constant 2 : i32
      %add3A_322 = vector.broadcast %add3A_321 : i32 to vector<16xi32>
      %add3A_323 = arith.addi %iota3A_310, %add3A_322 : vector<16xi32>
      %and3A_324 = arith.constant 15 : i32
      %and3A_325 = vector.broadcast %and3A_324 : i32 to vector<16xi32>
      %and3A_326 = arith.andi %add3A_323, %and3A_325 : vector<16xi32>
      %broadcast_in_dim3A_327 = vector.shape_cast %and3A_326 : vector<16xi32> to vector<16x1xi32>
      %gather3A_328 = vector.shape_cast %broadcast_in_dim3A_327 : vector<16x1xi32> to vector<16xi32>
      %gather3A_329 = tpu.dynamic_gather %add3A_320[%gather3A_328] in [0] : vector<16xf32>, vector<16xi32> -> vector<16xf32>
      %add3A_330 = arith.addf %add3A_320, %gather3A_329 : vector<16xf32>
      %add3A_331 = arith.constant 4 : i32
      %add3A_332 = vector.broadcast %add3A_331 : i32 to vector<16xi32>
      %add3A_333 = arith.addi %iota3A_310, %add3A_332 : vector<16xi32>
      %and3A_334 = arith.constant 15 : i32
      %and3A_335 = vector.broadcast %and3A_334 : i32 to vector<16xi32>
      %and3A_336 = arith.andi %add3A_333, %and3A_335 : vector<16xi32>
      %broadcast_in_dim3A_337 = vector.shape_cast %and3A_336 : vector<16xi32> to vector<16x1xi32>
      %gather3A_338 = vector.shape_cast %broadcast_in_dim3A_337 : vector<16x1xi32> to vector<16xi32>
      %gather3A_339 = tpu.dynamic_gather %add3A_330[%gather3A_338] in [0] : vector<16xf32>, vector<16xi32> -> vector<16xf32>
      %add3A_340 = arith.addf %add3A_330, %gather3A_339 : vector<16xf32>
      %add3A_341 = arith.constant 8 : i32
      %add3A_342 = vector.broadcast %add3A_341 : i32 to vector<16xi32>
      %add3A_343 = arith.addi %iota3A_310, %add3A_342 : vector<16xi32>
      %and3A_344 = arith.constant 15 : i32
      %and3A_345 = vector.broadcast %and3A_344 : i32 to vector<16xi32>
      %and3A_346 = arith.andi %add3A_343, %and3A_345 : vector<16xi32>
      %broadcast_in_dim3A_347 = vector.shape_cast %and3A_346 : vector<16xi32> to vector<16x1xi32>
      %gather3A_348 = vector.shape_cast %broadcast_in_dim3A_347 : vector<16x1xi32> to vector<16xi32>
      %gather3A_349 = tpu.dynamic_gather %add3A_340[%gather3A_348] in [0] : vector<16xf32>, vector<16xi32> -> vector<16xf32>
      %add3A_350 = arith.addf %add3A_340, %gather3A_349 : vector<16xf32>
      %mul3A_351 = vector.broadcast %scan3A_68 : f32 to vector<16xf32>
      %mul3A_352 = arith.mulf %add3A_350, %mul3A_351 : vector<16xf32>
      %mul3A_353 = arith.mulf %mul3A_309, %mul3A_309 : vector<16xf32>
      %sub3A_354 = arith.subf %mul3A_352, %mul3A_353 : vector<16xf32>
      %add3A_355 = arith.constant 9.99999974E-6 : f32
      %add3A_356 = vector.broadcast %add3A_355 : f32 to vector<16xf32>
      %add3A_357 = arith.addf %sub3A_354, %add3A_356 : vector<16xf32>
      %bitcast_convert_type3A_358 = tpu.bitcast %add3A_357 : vector<16xf32> -> vector<16xi32>
      %shift_right_arithmetic3A_359 = arith.constant 1 : i32
      %shift_right_arithmetic3A_360 = vector.broadcast %shift_right_arithmetic3A_359 : i32 to vector<16xi32>
      %shift_right_arithmetic3A_361 = arith.shrsi %bitcast_convert_type3A_358, %shift_right_arithmetic3A_360 : vector<16xi32>
      %sub3A_362 = arith.constant 1597463007 : i32
      %sub3A_363 = vector.broadcast %sub3A_362 : i32 to vector<16xi32>
      %sub3A_364 = arith.subi %sub3A_363, %shift_right_arithmetic3A_361 : vector<16xi32>
      %bitcast_convert_type3A_365 = tpu.bitcast %sub3A_364 : vector<16xi32> -> vector<16xf32>
      %mul3A_366 = arith.constant 5.000000e-01 : f32
      %mul3A_367 = vector.broadcast %mul3A_366 : f32 to vector<16xf32>
      %mul3A_368 = arith.mulf %mul3A_367, %add3A_357 : vector<16xf32>
      %mul3A_369 = arith.mulf %mul3A_368, %bitcast_convert_type3A_365 : vector<16xf32>
      %mul3A_370 = arith.mulf %mul3A_369, %bitcast_convert_type3A_365 : vector<16xf32>
      %sub3A_371 = arith.constant 1.500000e+00 : f32
      %sub3A_372 = vector.broadcast %sub3A_371 : f32 to vector<16xf32>
      %sub3A_373 = arith.subf %sub3A_372, %mul3A_370 : vector<16xf32>
      %mul3A_374 = arith.mulf %bitcast_convert_type3A_365, %sub3A_373 : vector<16xf32>
      %mul3A_375 = arith.mulf %mul3A_368, %mul3A_374 : vector<16xf32>
      %mul3A_376 = arith.mulf %mul3A_375, %mul3A_374 : vector<16xf32>
      %sub3A_377 = arith.constant 1.500000e+00 : f32
      %sub3A_378 = vector.broadcast %sub3A_377 : f32 to vector<16xf32>
      %sub3A_379 = arith.subf %sub3A_378, %mul3A_376 : vector<16xf32>
      %mul3A_380 = arith.mulf %mul3A_374, %sub3A_379 : vector<16xf32>
      %mul3A_381 = arith.mulf %mul3A_368, %mul3A_380 : vector<16xf32>
      %mul3A_382 = arith.mulf %mul3A_381, %mul3A_380 : vector<16xf32>
      %sub3A_383 = arith.constant 1.500000e+00 : f32
      %sub3A_384 = vector.broadcast %sub3A_383 : f32 to vector<16xf32>
      %sub3A_385 = arith.subf %sub3A_384, %mul3A_382 : vector<16xf32>
      %mul3A_386 = arith.mulf %mul3A_380, %sub3A_385 : vector<16xf32>
      %neg3A_387 = arith.constant 0.000000e+00 : f32
      %neg3A_388 = vector.broadcast %neg3A_387 : f32 to vector<16xf32>
      %neg3A_389 = arith.subf %neg3A_388, %mul3A_309 : vector<16xf32>
      %mul3A_390 = arith.mulf %neg3A_389, %mul3A_386 : vector<16xf32>
      %iota3A_391 = tpu.iota {dimensions = array<i32: 0>} : vector<16xi32>
      %add3A_392 = arith.constant 1 : i32
      %add3A_393 = vector.broadcast %add3A_392 : i32 to vector<16xi32>
      %add3A_394 = arith.addi %iota3A_391, %add3A_393 : vector<16xi32>
      %and3A_395 = arith.constant 15 : i32
      %and3A_396 = vector.broadcast %and3A_395 : i32 to vector<16xi32>
      %and3A_397 = arith.andi %add3A_394, %and3A_396 : vector<16xi32>
      %broadcast_in_dim3A_398 = vector.shape_cast %and3A_397 : vector<16xi32> to vector<16x1xi32>
      %gather3A_399 = vector.shape_cast %broadcast_in_dim3A_398 : vector<16x1xi32> to vector<16xi32>
      %gather3A_400 = tpu.dynamic_gather %parallel_loop3A_149#2[%gather3A_399] in [0] : vector<16xf32>, vector<16xi32> -> vector<16xf32>
      %add3A_401 = arith.addf %parallel_loop3A_149#2, %gather3A_400 : vector<16xf32>
      %add3A_402 = arith.constant 2 : i32
      %add3A_403 = vector.broadcast %add3A_402 : i32 to vector<16xi32>
      %add3A_404 = arith.addi %iota3A_391, %add3A_403 : vector<16xi32>
      %and3A_405 = arith.constant 15 : i32
      %and3A_406 = vector.broadcast %and3A_405 : i32 to vector<16xi32>
      %and3A_407 = arith.andi %add3A_404, %and3A_406 : vector<16xi32>
      %broadcast_in_dim3A_408 = vector.shape_cast %and3A_407 : vector<16xi32> to vector<16x1xi32>
      %gather3A_409 = vector.shape_cast %broadcast_in_dim3A_408 : vector<16x1xi32> to vector<16xi32>
      %gather3A_410 = tpu.dynamic_gather %add3A_401[%gather3A_409] in [0] : vector<16xf32>, vector<16xi32> -> vector<16xf32>
      %add3A_411 = arith.addf %add3A_401, %gather3A_410 : vector<16xf32>
      %add3A_412 = arith.constant 4 : i32
      %add3A_413 = vector.broadcast %add3A_412 : i32 to vector<16xi32>
      %add3A_414 = arith.addi %iota3A_391, %add3A_413 : vector<16xi32>
      %and3A_415 = arith.constant 15 : i32
      %and3A_416 = vector.broadcast %and3A_415 : i32 to vector<16xi32>
      %and3A_417 = arith.andi %add3A_414, %and3A_416 : vector<16xi32>
      %broadcast_in_dim3A_418 = vector.shape_cast %and3A_417 : vector<16xi32> to vector<16x1xi32>
      %gather3A_419 = vector.shape_cast %broadcast_in_dim3A_418 : vector<16x1xi32> to vector<16xi32>
      %gather3A_420 = tpu.dynamic_gather %add3A_411[%gather3A_419] in [0] : vector<16xf32>, vector<16xi32> -> vector<16xf32>
      %add3A_421 = arith.addf %add3A_411, %gather3A_420 : vector<16xf32>
      %add3A_422 = arith.constant 8 : i32
      %add3A_423 = vector.broadcast %add3A_422 : i32 to vector<16xi32>
      %add3A_424 = arith.addi %iota3A_391, %add3A_423 : vector<16xi32>
      %and3A_425 = arith.constant 15 : i32
      %and3A_426 = vector.broadcast %and3A_425 : i32 to vector<16xi32>
      %and3A_427 = arith.andi %add3A_424, %and3A_426 : vector<16xi32>
      %broadcast_in_dim3A_428 = vector.shape_cast %and3A_427 : vector<16xi32> to vector<16x1xi32>
      %gather3A_429 = vector.shape_cast %broadcast_in_dim3A_428 : vector<16x1xi32> to vector<16xi32>
      %gather3A_430 = tpu.dynamic_gather %add3A_421[%gather3A_429] in [0] : vector<16xf32>, vector<16xi32> -> vector<16xf32>
      %add3A_431 = arith.addf %add3A_421, %gather3A_430 : vector<16xf32>
      %mul3A_432 = vector.broadcast %scan3A_68 : f32 to vector<16xf32>
      %mul3A_433 = arith.mulf %add3A_431, %mul3A_432 : vector<16xf32>
      %iota3A_434 = tpu.iota {dimensions = array<i32: 0>} : vector<16xi32>
      %add3A_435 = arith.constant 1 : i32
      %add3A_436 = vector.broadcast %add3A_435 : i32 to vector<16xi32>
      %add3A_437 = arith.addi %iota3A_434, %add3A_436 : vector<16xi32>
      %and3A_438 = arith.constant 15 : i32
      %and3A_439 = vector.broadcast %and3A_438 : i32 to vector<16xi32>
      %and3A_440 = arith.andi %add3A_437, %and3A_439 : vector<16xi32>
      %broadcast_in_dim3A_441 = vector.shape_cast %and3A_440 : vector<16xi32> to vector<16x1xi32>
      %gather3A_442 = vector.shape_cast %broadcast_in_dim3A_441 : vector<16x1xi32> to vector<16xi32>
      %gather3A_443 = tpu.dynamic_gather %parallel_loop3A_149#6[%gather3A_442] in [0] : vector<16xf32>, vector<16xi32> -> vector<16xf32>
      %add3A_444 = arith.addf %parallel_loop3A_149#6, %gather3A_443 : vector<16xf32>
      %add3A_445 = arith.constant 2 : i32
      %add3A_446 = vector.broadcast %add3A_445 : i32 to vector<16xi32>
      %add3A_447 = arith.addi %iota3A_434, %add3A_446 : vector<16xi32>
      %and3A_448 = arith.constant 15 : i32
      %and3A_449 = vector.broadcast %and3A_448 : i32 to vector<16xi32>
      %and3A_450 = arith.andi %add3A_447, %and3A_449 : vector<16xi32>
      %broadcast_in_dim3A_451 = vector.shape_cast %and3A_450 : vector<16xi32> to vector<16x1xi32>
      %gather3A_452 = vector.shape_cast %broadcast_in_dim3A_451 : vector<16x1xi32> to vector<16xi32>
      %gather3A_453 = tpu.dynamic_gather %add3A_444[%gather3A_452] in [0] : vector<16xf32>, vector<16xi32> -> vector<16xf32>
      %add3A_454 = arith.addf %add3A_444, %gather3A_453 : vector<16xf32>
      %add3A_455 = arith.constant 4 : i32
      %add3A_456 = vector.broadcast %add3A_455 : i32 to vector<16xi32>
      %add3A_457 = arith.addi %iota3A_434, %add3A_456 : vector<16xi32>
      %and3A_458 = arith.constant 15 : i32
      %and3A_459 = vector.broadcast %and3A_458 : i32 to vector<16xi32>
      %and3A_460 = arith.andi %add3A_457, %and3A_459 : vector<16xi32>
      %broadcast_in_dim3A_461 = vector.shape_cast %and3A_460 : vector<16xi32> to vector<16x1xi32>
      %gather3A_462 = vector.shape_cast %broadcast_in_dim3A_461 : vector<16x1xi32> to vector<16xi32>
      %gather3A_463 = tpu.dynamic_gather %add3A_454[%gather3A_462] in [0] : vector<16xf32>, vector<16xi32> -> vector<16xf32>
      %add3A_464 = arith.addf %add3A_454, %gather3A_463 : vector<16xf32>
      %add3A_465 = arith.constant 8 : i32
      %add3A_466 = vector.broadcast %add3A_465 : i32 to vector<16xi32>
      %add3A_467 = arith.addi %iota3A_434, %add3A_466 : vector<16xi32>
      %and3A_468 = arith.constant 15 : i32
      %and3A_469 = vector.broadcast %and3A_468 : i32 to vector<16xi32>
      %and3A_470 = arith.andi %add3A_467, %and3A_469 : vector<16xi32>
      %broadcast_in_dim3A_471 = vector.shape_cast %and3A_470 : vector<16xi32> to vector<16x1xi32>
      %gather3A_472 = vector.shape_cast %broadcast_in_dim3A_471 : vector<16x1xi32> to vector<16xi32>
      %gather3A_473 = tpu.dynamic_gather %add3A_464[%gather3A_472] in [0] : vector<16xf32>, vector<16xi32> -> vector<16xf32>
      %add3A_474 = arith.addf %add3A_464, %gather3A_473 : vector<16xf32>
      %mul3A_475 = vector.broadcast %scan3A_68 : f32 to vector<16xf32>
      %mul3A_476 = arith.mulf %add3A_474, %mul3A_475 : vector<16xf32>
      %mul3A_477 = arith.mulf %mul3A_433, %mul3A_433 : vector<16xf32>
      %sub3A_478 = arith.subf %mul3A_476, %mul3A_477 : vector<16xf32>
      %add3A_479 = arith.constant 9.99999974E-6 : f32
      %add3A_480 = vector.broadcast %add3A_479 : f32 to vector<16xf32>
      %add3A_481 = arith.addf %sub3A_478, %add3A_480 : vector<16xf32>
      %bitcast_convert_type3A_482 = tpu.bitcast %add3A_481 : vector<16xf32> -> vector<16xi32>
      %shift_right_arithmetic3A_483 = arith.constant 1 : i32
      %shift_right_arithmetic3A_484 = vector.broadcast %shift_right_arithmetic3A_483 : i32 to vector<16xi32>
      %shift_right_arithmetic3A_485 = arith.shrsi %bitcast_convert_type3A_482, %shift_right_arithmetic3A_484 : vector<16xi32>
      %sub3A_486 = arith.constant 1597463007 : i32
      %sub3A_487 = vector.broadcast %sub3A_486 : i32 to vector<16xi32>
      %sub3A_488 = arith.subi %sub3A_487, %shift_right_arithmetic3A_485 : vector<16xi32>
      %bitcast_convert_type3A_489 = tpu.bitcast %sub3A_488 : vector<16xi32> -> vector<16xf32>
      %mul3A_490 = arith.constant 5.000000e-01 : f32
      %mul3A_491 = vector.broadcast %mul3A_490 : f32 to vector<16xf32>
      %mul3A_492 = arith.mulf %mul3A_491, %add3A_481 : vector<16xf32>
      %mul3A_493 = arith.mulf %mul3A_492, %bitcast_convert_type3A_489 : vector<16xf32>
      %mul3A_494 = arith.mulf %mul3A_493, %bitcast_convert_type3A_489 : vector<16xf32>
      %sub3A_495 = arith.constant 1.500000e+00 : f32
      %sub3A_496 = vector.broadcast %sub3A_495 : f32 to vector<16xf32>
      %sub3A_497 = arith.subf %sub3A_496, %mul3A_494 : vector<16xf32>
      %mul3A_498 = arith.mulf %bitcast_convert_type3A_489, %sub3A_497 : vector<16xf32>
      %mul3A_499 = arith.mulf %mul3A_492, %mul3A_498 : vector<16xf32>
      %mul3A_500 = arith.mulf %mul3A_499, %mul3A_498 : vector<16xf32>
      %sub3A_501 = arith.constant 1.500000e+00 : f32
      %sub3A_502 = vector.broadcast %sub3A_501 : f32 to vector<16xf32>
      %sub3A_503 = arith.subf %sub3A_502, %mul3A_500 : vector<16xf32>
      %mul3A_504 = arith.mulf %mul3A_498, %sub3A_503 : vector<16xf32>
      %mul3A_505 = arith.mulf %mul3A_492, %mul3A_504 : vector<16xf32>
      %mul3A_506 = arith.mulf %mul3A_505, %mul3A_504 : vector<16xf32>
      %sub3A_507 = arith.constant 1.500000e+00 : f32
      %sub3A_508 = vector.broadcast %sub3A_507 : f32 to vector<16xf32>
      %sub3A_509 = arith.subf %sub3A_508, %mul3A_506 : vector<16xf32>
      %mul3A_510 = arith.mulf %mul3A_504, %sub3A_509 : vector<16xf32>
      %neg3A_511 = arith.constant 0.000000e+00 : f32
      %neg3A_512 = vector.broadcast %neg3A_511 : f32 to vector<16xf32>
      %neg3A_513 = arith.subf %neg3A_512, %mul3A_433 : vector<16xf32>
      %mul3A_514 = arith.mulf %neg3A_513, %mul3A_510 : vector<16xf32>
      %iota3A_515 = tpu.iota {dimensions = array<i32: 0>} : vector<16xi32>
      %add3A_516 = arith.constant 1 : i32
      %add3A_517 = vector.broadcast %add3A_516 : i32 to vector<16xi32>
      %add3A_518 = arith.addi %iota3A_515, %add3A_517 : vector<16xi32>
      %and3A_519 = arith.constant 15 : i32
      %and3A_520 = vector.broadcast %and3A_519 : i32 to vector<16xi32>
      %and3A_521 = arith.andi %add3A_518, %and3A_520 : vector<16xi32>
      %broadcast_in_dim3A_522 = vector.shape_cast %and3A_521 : vector<16xi32> to vector<16x1xi32>
      %gather3A_523 = vector.shape_cast %broadcast_in_dim3A_522 : vector<16x1xi32> to vector<16xi32>
      %gather3A_524 = tpu.dynamic_gather %parallel_loop3A_149#3[%gather3A_523] in [0] : vector<16xf32>, vector<16xi32> -> vector<16xf32>
      %add3A_525 = arith.addf %parallel_loop3A_149#3, %gather3A_524 : vector<16xf32>
      %add3A_526 = arith.constant 2 : i32
      %add3A_527 = vector.broadcast %add3A_526 : i32 to vector<16xi32>
      %add3A_528 = arith.addi %iota3A_515, %add3A_527 : vector<16xi32>
      %and3A_529 = arith.constant 15 : i32
      %and3A_530 = vector.broadcast %and3A_529 : i32 to vector<16xi32>
      %and3A_531 = arith.andi %add3A_528, %and3A_530 : vector<16xi32>
      %broadcast_in_dim3A_532 = vector.shape_cast %and3A_531 : vector<16xi32> to vector<16x1xi32>
      %gather3A_533 = vector.shape_cast %broadcast_in_dim3A_532 : vector<16x1xi32> to vector<16xi32>
      %gather3A_534 = tpu.dynamic_gather %add3A_525[%gather3A_533] in [0] : vector<16xf32>, vector<16xi32> -> vector<16xf32>
      %add3A_535 = arith.addf %add3A_525, %gather3A_534 : vector<16xf32>
      %add3A_536 = arith.constant 4 : i32
      %add3A_537 = vector.broadcast %add3A_536 : i32 to vector<16xi32>
      %add3A_538 = arith.addi %iota3A_515, %add3A_537 : vector<16xi32>
      %and3A_539 = arith.constant 15 : i32
      %and3A_540 = vector.broadcast %and3A_539 : i32 to vector<16xi32>
      %and3A_541 = arith.andi %add3A_538, %and3A_540 : vector<16xi32>
      %broadcast_in_dim3A_542 = vector.shape_cast %and3A_541 : vector<16xi32> to vector<16x1xi32>
      %gather3A_543 = vector.shape_cast %broadcast_in_dim3A_542 : vector<16x1xi32> to vector<16xi32>
      %gather3A_544 = tpu.dynamic_gather %add3A_535[%gather3A_543] in [0] : vector<16xf32>, vector<16xi32> -> vector<16xf32>
      %add3A_545 = arith.addf %add3A_535, %gather3A_544 : vector<16xf32>
      %add3A_546 = arith.constant 8 : i32
      %add3A_547 = vector.broadcast %add3A_546 : i32 to vector<16xi32>
      %add3A_548 = arith.addi %iota3A_515, %add3A_547 : vector<16xi32>
      %and3A_549 = arith.constant 15 : i32
      %and3A_550 = vector.broadcast %and3A_549 : i32 to vector<16xi32>
      %and3A_551 = arith.andi %add3A_548, %and3A_550 : vector<16xi32>
      %broadcast_in_dim3A_552 = vector.shape_cast %and3A_551 : vector<16xi32> to vector<16x1xi32>
      %gather3A_553 = vector.shape_cast %broadcast_in_dim3A_552 : vector<16x1xi32> to vector<16xi32>
      %gather3A_554 = tpu.dynamic_gather %add3A_545[%gather3A_553] in [0] : vector<16xf32>, vector<16xi32> -> vector<16xf32>
      %add3A_555 = arith.addf %add3A_545, %gather3A_554 : vector<16xf32>
      %mul3A_556 = vector.broadcast %scan3A_68 : f32 to vector<16xf32>
      %mul3A_557 = arith.mulf %add3A_555, %mul3A_556 : vector<16xf32>
      %iota3A_558 = tpu.iota {dimensions = array<i32: 0>} : vector<16xi32>
      %add3A_559 = arith.constant 1 : i32
      %add3A_560 = vector.broadcast %add3A_559 : i32 to vector<16xi32>
      %add3A_561 = arith.addi %iota3A_558, %add3A_560 : vector<16xi32>
      %and3A_562 = arith.constant 15 : i32
      %and3A_563 = vector.broadcast %and3A_562 : i32 to vector<16xi32>
      %and3A_564 = arith.andi %add3A_561, %and3A_563 : vector<16xi32>
      %broadcast_in_dim3A_565 = vector.shape_cast %and3A_564 : vector<16xi32> to vector<16x1xi32>
      %gather3A_566 = vector.shape_cast %broadcast_in_dim3A_565 : vector<16x1xi32> to vector<16xi32>
      %gather3A_567 = tpu.dynamic_gather %parallel_loop3A_149#7[%gather3A_566] in [0] : vector<16xf32>, vector<16xi32> -> vector<16xf32>
      %add3A_568 = arith.addf %parallel_loop3A_149#7, %gather3A_567 : vector<16xf32>
      %add3A_569 = arith.constant 2 : i32
      %add3A_570 = vector.broadcast %add3A_569 : i32 to vector<16xi32>
      %add3A_571 = arith.addi %iota3A_558, %add3A_570 : vector<16xi32>
      %and3A_572 = arith.constant 15 : i32
      %and3A_573 = vector.broadcast %and3A_572 : i32 to vector<16xi32>
      %and3A_574 = arith.andi %add3A_571, %and3A_573 : vector<16xi32>
      %broadcast_in_dim3A_575 = vector.shape_cast %and3A_574 : vector<16xi32> to vector<16x1xi32>
      %gather3A_576 = vector.shape_cast %broadcast_in_dim3A_575 : vector<16x1xi32> to vector<16xi32>
      %gather3A_577 = tpu.dynamic_gather %add3A_568[%gather3A_576] in [0] : vector<16xf32>, vector<16xi32> -> vector<16xf32>
      %add3A_578 = arith.addf %add3A_568, %gather3A_577 : vector<16xf32>
      %add3A_579 = arith.constant 4 : i32
      %add3A_580 = vector.broadcast %add3A_579 : i32 to vector<16xi32>
      %add3A_581 = arith.addi %iota3A_558, %add3A_580 : vector<16xi32>
      %and3A_582 = arith.constant 15 : i32
      %and3A_583 = vector.broadcast %and3A_582 : i32 to vector<16xi32>
      %and3A_584 = arith.andi %add3A_581, %and3A_583 : vector<16xi32>
      %broadcast_in_dim3A_585 = vector.shape_cast %and3A_584 : vector<16xi32> to vector<16x1xi32>
      %gather3A_586 = vector.shape_cast %broadcast_in_dim3A_585 : vector<16x1xi32> to vector<16xi32>
      %gather3A_587 = tpu.dynamic_gather %add3A_578[%gather3A_586] in [0] : vector<16xf32>, vector<16xi32> -> vector<16xf32>
      %add3A_588 = arith.addf %add3A_578, %gather3A_587 : vector<16xf32>
      %add3A_589 = arith.constant 8 : i32
      %add3A_590 = vector.broadcast %add3A_589 : i32 to vector<16xi32>
      %add3A_591 = arith.addi %iota3A_558, %add3A_590 : vector<16xi32>
      %and3A_592 = arith.constant 15 : i32
      %and3A_593 = vector.broadcast %and3A_592 : i32 to vector<16xi32>
      %and3A_594 = arith.andi %add3A_591, %and3A_593 : vector<16xi32>
      %broadcast_in_dim3A_595 = vector.shape_cast %and3A_594 : vector<16xi32> to vector<16x1xi32>
      %gather3A_596 = vector.shape_cast %broadcast_in_dim3A_595 : vector<16x1xi32> to vector<16xi32>
      %gather3A_597 = tpu.dynamic_gather %add3A_588[%gather3A_596] in [0] : vector<16xf32>, vector<16xi32> -> vector<16xf32>
      %add3A_598 = arith.addf %add3A_588, %gather3A_597 : vector<16xf32>
      %mul3A_599 = vector.broadcast %scan3A_68 : f32 to vector<16xf32>
      %mul3A_600 = arith.mulf %add3A_598, %mul3A_599 : vector<16xf32>
      %mul3A_601 = arith.mulf %mul3A_557, %mul3A_557 : vector<16xf32>
      %sub3A_602 = arith.subf %mul3A_600, %mul3A_601 : vector<16xf32>
      %add3A_603 = arith.constant 9.99999974E-6 : f32
      %add3A_604 = vector.broadcast %add3A_603 : f32 to vector<16xf32>
      %add3A_605 = arith.addf %sub3A_602, %add3A_604 : vector<16xf32>
      %bitcast_convert_type3A_606 = tpu.bitcast %add3A_605 : vector<16xf32> -> vector<16xi32>
      %shift_right_arithmetic3A_607 = arith.constant 1 : i32
      %shift_right_arithmetic3A_608 = vector.broadcast %shift_right_arithmetic3A_607 : i32 to vector<16xi32>
      %shift_right_arithmetic3A_609 = arith.shrsi %bitcast_convert_type3A_606, %shift_right_arithmetic3A_608 : vector<16xi32>
      %sub3A_610 = arith.constant 1597463007 : i32
      %sub3A_611 = vector.broadcast %sub3A_610 : i32 to vector<16xi32>
      %sub3A_612 = arith.subi %sub3A_611, %shift_right_arithmetic3A_609 : vector<16xi32>
      %bitcast_convert_type3A_613 = tpu.bitcast %sub3A_612 : vector<16xi32> -> vector<16xf32>
      %mul3A_614 = arith.constant 5.000000e-01 : f32
      %mul3A_615 = vector.broadcast %mul3A_614 : f32 to vector<16xf32>
      %mul3A_616 = arith.mulf %mul3A_615, %add3A_605 : vector<16xf32>
      %mul3A_617 = arith.mulf %mul3A_616, %bitcast_convert_type3A_613 : vector<16xf32>
      %mul3A_618 = arith.mulf %mul3A_617, %bitcast_convert_type3A_613 : vector<16xf32>
      %sub3A_619 = arith.constant 1.500000e+00 : f32
      %sub3A_620 = vector.broadcast %sub3A_619 : f32 to vector<16xf32>
      %sub3A_621 = arith.subf %sub3A_620, %mul3A_618 : vector<16xf32>
      %mul3A_622 = arith.mulf %bitcast_convert_type3A_613, %sub3A_621 : vector<16xf32>
      %mul3A_623 = arith.mulf %mul3A_616, %mul3A_622 : vector<16xf32>
      %mul3A_624 = arith.mulf %mul3A_623, %mul3A_622 : vector<16xf32>
      %sub3A_625 = arith.constant 1.500000e+00 : f32
      %sub3A_626 = vector.broadcast %sub3A_625 : f32 to vector<16xf32>
      %sub3A_627 = arith.subf %sub3A_626, %mul3A_624 : vector<16xf32>
      %mul3A_628 = arith.mulf %mul3A_622, %sub3A_627 : vector<16xf32>
      %mul3A_629 = arith.mulf %mul3A_616, %mul3A_628 : vector<16xf32>
      %mul3A_630 = arith.mulf %mul3A_629, %mul3A_628 : vector<16xf32>
      %sub3A_631 = arith.constant 1.500000e+00 : f32
      %sub3A_632 = vector.broadcast %sub3A_631 : f32 to vector<16xf32>
      %sub3A_633 = arith.subf %sub3A_632, %mul3A_630 : vector<16xf32>
      %mul3A_634 = arith.mulf %mul3A_628, %sub3A_633 : vector<16xf32>
      %neg3A_635 = arith.constant 0.000000e+00 : f32
      %neg3A_636 = vector.broadcast %neg3A_635 : f32 to vector<16xf32>
      %neg3A_637 = arith.subf %neg3A_636, %mul3A_557 : vector<16xf32>
      %mul3A_638 = arith.mulf %neg3A_637, %mul3A_634 : vector<16xf32>
      %parallel_loop3A_639 = arith.constant 0 : i32
      %parallel_loop3A_640 = arith.constant 256 : i32
      %parallel_loop3A_641 = arith.constant 2 : i32
      scf.for %parallel_loop3A_659 = %parallel_loop3A_639 to %parallel_loop3A_640 step %parallel_loop3A_641  : i32 {
        %parallel_loop3A_660 = arith.constant 0 : i32
        %parallel_loop3A_661 = arith.addi %parallel_loop3A_659, %parallel_loop3A_660 : i32
        %parallel_loop3A_662 = arith.constant 16 : i32
        %parallel_loop3A_663 = arith.muli %parallel_loop3A_661, %parallel_loop3A_662 : i32
        %parallel_loop3A_664 = arith.index_cast %parallel_loop3A_663 : i32 to index
        %parallel_loop3A_665 = tpu.vector_load %arg11[%parallel_loop3A_664] {strides = array<i32>} : memref<4096xf32, #tpu.memory_space<vmem>>, vector<16xf32>,
        %parallel_loop3A_666 = vector.shape_cast %parallel_loop3A_665 : vector<16xf32> to vector<16xf32>
        %parallel_loop3A_667 = arith.index_cast %parallel_loop3A_663 : i32 to index
        %parallel_loop3A_668 = tpu.vector_load %arg12[%parallel_loop3A_667] {strides = array<i32>} : memref<4096xf32, #tpu.memory_space<vmem>>, vector<16xf32>,
        %parallel_loop3A_669 = vector.shape_cast %parallel_loop3A_668 : vector<16xf32> to vector<16xf32>
        %parallel_loop3A_670 = arith.constant 0 : i32
        %parallel_loop3A_671 = arith.index_cast %rem3A_144 : i32 to index
        %parallel_loop3A_672 = arith.index_cast %parallel_loop3A_670 : i32 to index
        %parallel_loop3A_673 = arith.index_cast %parallel_loop3A_663 : i32 to index
        %parallel_loop3A_674 = tpu.vector_load %arg9[%parallel_loop3A_671, %parallel_loop3A_672, %parallel_loop3A_673] {strides = array<i32>} : memref<3x4x4096xf32, #tpu.memory_space<vmem>>, vector<1x1x16xf32>,
        %parallel_loop3A_675 = vector.shape_cast %parallel_loop3A_674 : vector<1x1x16xf32> to vector<16xf32>
        %parallel_loop3A_676 = arith.mulf %parallel_loop3A_675, %mul3A_263 : vector<16xf32>
        %parallel_loop3A_677 = arith.addf %parallel_loop3A_676, %mul3A_266 : vector<16xf32>
        %parallel_loop3A_678 = arith.mulf %parallel_loop3A_677, %parallel_loop3A_666 : vector<16xf32>
        %parallel_loop3A_679 = arith.addf %parallel_loop3A_678, %parallel_loop3A_669 : vector<16xf32>
        %parallel_loop3A_680 = arith.constant 0 : i32
        %parallel_loop3A_681 = arith.index_cast %rem3A_144 : i32 to index
        %parallel_loop3A_682 = arith.index_cast %parallel_loop3A_680 : i32 to index
        %parallel_loop3A_683 = arith.index_cast %parallel_loop3A_663 : i32 to index
        %parallel_loop3A_684 = tpu.vector_load %arg9[%parallel_loop3A_681, %parallel_loop3A_682, %parallel_loop3A_683] {strides = array<i32>} : memref<3x4x4096xf32, #tpu.memory_space<vmem>>, vector<1x1x16xf32>,
        %parallel_loop3A_685 = vector.shape_cast %parallel_loop3A_684 : vector<1x1x16xf32> to vector<16xf32>
        %parallel_loop3A_686 = vector.shape_cast %parallel_loop3A_679 : vector<16xf32> to vector<1x1x16xf32>
        tpu.vector_store %arg9[%parallel_loop3A_681, %parallel_loop3A_682, %parallel_loop3A_683], %parallel_loop3A_686 {strides = array<i32>} : memref<3x4x4096xf32, #tpu.memory_space<vmem>>, vector<1x1x16xf32>,
        %parallel_loop3A_687 = arith.constant 1 : i32
        %parallel_loop3A_688 = arith.index_cast %rem3A_144 : i32 to index
        %parallel_loop3A_689 = arith.index_cast %parallel_loop3A_687 : i32 to index
        %parallel_loop3A_690 = arith.index_cast %parallel_loop3A_663 : i32 to index
        %parallel_loop3A_691 = tpu.vector_load %arg9[%parallel_loop3A_688, %parallel_loop3A_689, %parallel_loop3A_690] {strides = array<i32>} : memref<3x4x4096xf32, #tpu.memory_space<vmem>>, vector<1x1x16xf32>,
        %parallel_loop3A_692 = vector.shape_cast %parallel_loop3A_691 : vector<1x1x16xf32> to vector<16xf32>
        %parallel_loop3A_693 = arith.mulf %parallel_loop3A_692, %mul3A_386 : vector<16xf32>
        %parallel_loop3A_694 = arith.addf %parallel_loop3A_693, %mul3A_390 : vector<16xf32>
        %parallel_loop3A_695 = arith.mulf %parallel_loop3A_694, %parallel_loop3A_666 : vector<16xf32>
        %parallel_loop3A_696 = arith.addf %parallel_loop3A_695, %parallel_loop3A_669 : vector<16xf32>
        %parallel_loop3A_697 = arith.constant 1 : i32
        %parallel_loop3A_698 = arith.index_cast %rem3A_144 : i32 to index
        %parallel_loop3A_699 = arith.index_cast %parallel_loop3A_697 : i32 to index
        %parallel_loop3A_700 = arith.index_cast %parallel_loop3A_663 : i32 to index
        %parallel_loop3A_701 = tpu.vector_load %arg9[%parallel_loop3A_698, %parallel_loop3A_699, %parallel_loop3A_700] {strides = array<i32>} : memref<3x4x4096xf32, #tpu.memory_space<vmem>>, vector<1x1x16xf32>,
        %parallel_loop3A_702 = vector.shape_cast %parallel_loop3A_701 : vector<1x1x16xf32> to vector<16xf32>
        %parallel_loop3A_703 = vector.shape_cast %parallel_loop3A_696 : vector<16xf32> to vector<1x1x16xf32>
        tpu.vector_store %arg9[%parallel_loop3A_698, %parallel_loop3A_699, %parallel_loop3A_700], %parallel_loop3A_703 {strides = array<i32>} : memref<3x4x4096xf32, #tpu.memory_space<vmem>>, vector<1x1x16xf32>,
        %parallel_loop3A_704 = arith.constant 2 : i32
        %parallel_loop3A_705 = arith.index_cast %rem3A_144 : i32 to index
        %parallel_loop3A_706 = arith.index_cast %parallel_loop3A_704 : i32 to index
        %parallel_loop3A_707 = arith.index_cast %parallel_loop3A_663 : i32 to index
        %parallel_loop3A_708 = tpu.vector_load %arg9[%parallel_loop3A_705, %parallel_loop3A_706, %parallel_loop3A_707] {strides = array<i32>} : memref<3x4x4096xf32, #tpu.memory_space<vmem>>, vector<1x1x16xf32>,
        %parallel_loop3A_709 = vector.shape_cast %parallel_loop3A_708 : vector<1x1x16xf32> to vector<16xf32>
        %parallel_loop3A_710 = arith.mulf %parallel_loop3A_709, %mul3A_510 : vector<16xf32>
        %parallel_loop3A_711 = arith.addf %parallel_loop3A_710, %mul3A_514 : vector<16xf32>
        %parallel_loop3A_712 = arith.mulf %parallel_loop3A_711, %parallel_loop3A_666 : vector<16xf32>
        %parallel_loop3A_713 = arith.addf %parallel_loop3A_712, %parallel_loop3A_669 : vector<16xf32>
        %parallel_loop3A_714 = arith.constant 2 : i32
        %parallel_loop3A_715 = arith.index_cast %rem3A_144 : i32 to index
        %parallel_loop3A_716 = arith.index_cast %parallel_loop3A_714 : i32 to index
        %parallel_loop3A_717 = arith.index_cast %parallel_loop3A_663 : i32 to index
        %parallel_loop3A_718 = tpu.vector_load %arg9[%parallel_loop3A_715, %parallel_loop3A_716, %parallel_loop3A_717] {strides = array<i32>} : memref<3x4x4096xf32, #tpu.memory_space<vmem>>, vector<1x1x16xf32>,
        %parallel_loop3A_719 = vector.shape_cast %parallel_loop3A_718 : vector<1x1x16xf32> to vector<16xf32>
        %parallel_loop3A_720 = vector.shape_cast %parallel_loop3A_713 : vector<16xf32> to vector<1x1x16xf32>
        tpu.vector_store %arg9[%parallel_loop3A_715, %parallel_loop3A_716, %parallel_loop3A_717], %parallel_loop3A_720 {strides = array<i32>} : memref<3x4x4096xf32, #tpu.memory_space<vmem>>, vector<1x1x16xf32>,
        %parallel_loop3A_721 = arith.constant 3 : i32
        %parallel_loop3A_722 = arith.index_cast %rem3A_144 : i32 to index
        %parallel_loop3A_723 = arith.index_cast %parallel_loop3A_721 : i32 to index
        %parallel_loop3A_724 = arith.index_cast %parallel_loop3A_663 : i32 to index
        %parallel_loop3A_725 = tpu.vector_load %arg9[%parallel_loop3A_722, %parallel_loop3A_723, %parallel_loop3A_724] {strides = array<i32>} : memref<3x4x4096xf32, #tpu.memory_space<vmem>>, vector<1x1x16xf32>,
        %parallel_loop3A_726 = vector.shape_cast %parallel_loop3A_725 : vector<1x1x16xf32> to vector<16xf32>
        %parallel_loop3A_727 = arith.mulf %parallel_loop3A_726, %mul3A_634 : vector<16xf32>
        %parallel_loop3A_728 = arith.addf %parallel_loop3A_727, %mul3A_638 : vector<16xf32>
        %parallel_loop3A_729 = arith.mulf %parallel_loop3A_728, %parallel_loop3A_666 : vector<16xf32>
        %parallel_loop3A_730 = arith.addf %parallel_loop3A_729, %parallel_loop3A_669 : vector<16xf32>
        %parallel_loop3A_731 = arith.constant 3 : i32
        %parallel_loop3A_732 = arith.index_cast %rem3A_144 : i32 to index
        %parallel_loop3A_733 = arith.index_cast %parallel_loop3A_731 : i32 to index
        %parallel_loop3A_734 = arith.index_cast %parallel_loop3A_663 : i32 to index
        %parallel_loop3A_735 = tpu.vector_load %arg9[%parallel_loop3A_732, %parallel_loop3A_733, %parallel_loop3A_734] {strides = array<i32>} : memref<3x4x4096xf32, #tpu.memory_space<vmem>>, vector<1x1x16xf32>,
        %parallel_loop3A_736 = vector.shape_cast %parallel_loop3A_735 : vector<1x1x16xf32> to vector<16xf32>
        %parallel_loop3A_737 = vector.shape_cast %parallel_loop3A_730 : vector<16xf32> to vector<1x1x16xf32>
        tpu.vector_store %arg9[%parallel_loop3A_732, %parallel_loop3A_733, %parallel_loop3A_734], %parallel_loop3A_737 {strides = array<i32>} : memref<3x4x4096xf32, #tpu.memory_space<vmem>>, vector<1x1x16xf32>,
        %parallel_loop3A_738 = arith.constant 1 : i32
        %parallel_loop3A_739 = arith.addi %parallel_loop3A_659, %parallel_loop3A_738 : i32
        %parallel_loop3A_740 = arith.constant 16 : i32
        %parallel_loop3A_741 = arith.muli %parallel_loop3A_739, %parallel_loop3A_740 : i32
        %parallel_loop3A_742 = arith.index_cast %parallel_loop3A_741 : i32 to index
        %parallel_loop3A_743 = tpu.vector_load %arg11[%parallel_loop3A_742] {strides = array<i32>} : memref<4096xf32, #tpu.memory_space<vmem>>, vector<16xf32>,
        %parallel_loop3A_744 = vector.shape_cast %parallel_loop3A_743 : vector<16xf32> to vector<16xf32>
        %parallel_loop3A_745 = arith.index_cast %parallel_loop3A_741 : i32 to index
        %parallel_loop3A_746 = tpu.vector_load %arg12[%parallel_loop3A_745] {strides = array<i32>} : memref<4096xf32, #tpu.memory_space<vmem>>, vector<16xf32>,
        %parallel_loop3A_747 = vector.shape_cast %parallel_loop3A_746 : vector<16xf32> to vector<16xf32>
        %parallel_loop3A_748 = arith.constant 0 : i32
        %parallel_loop3A_749 = arith.index_cast %rem3A_144 : i32 to index
        %parallel_loop3A_750 = arith.index_cast %parallel_loop3A_748 : i32 to index
        %parallel_loop3A_751 = arith.index_cast %parallel_loop3A_741 : i32 to index
        %parallel_loop3A_752 = tpu.vector_load %arg9[%parallel_loop3A_749, %parallel_loop3A_750, %parallel_loop3A_751] {strides = array<i32>} : memref<3x4x4096xf32, #tpu.memory_space<vmem>>, vector<1x1x16xf32>,
        %parallel_loop3A_753 = vector.shape_cast %parallel_loop3A_752 : vector<1x1x16xf32> to vector<16xf32>
        %parallel_loop3A_754 = arith.mulf %parallel_loop3A_753, %mul3A_263 : vector<16xf32>
        %parallel_loop3A_755 = arith.addf %parallel_loop3A_754, %mul3A_266 : vector<16xf32>
        %parallel_loop3A_756 = arith.mulf %parallel_loop3A_755, %parallel_loop3A_744 : vector<16xf32>
        %parallel_loop3A_757 = arith.addf %parallel_loop3A_756, %parallel_loop3A_747 : vector<16xf32>
        %parallel_loop3A_758 = arith.constant 0 : i32
        %parallel_loop3A_759 = arith.index_cast %rem3A_144 : i32 to index
        %parallel_loop3A_760 = arith.index_cast %parallel_loop3A_758 : i32 to index
        %parallel_loop3A_761 = arith.index_cast %parallel_loop3A_741 : i32 to index
        %parallel_loop3A_762 = tpu.vector_load %arg9[%parallel_loop3A_759, %parallel_loop3A_760, %parallel_loop3A_761] {strides = array<i32>} : memref<3x4x4096xf32, #tpu.memory_space<vmem>>, vector<1x1x16xf32>,
        %parallel_loop3A_763 = vector.shape_cast %parallel_loop3A_762 : vector<1x1x16xf32> to vector<16xf32>
        %parallel_loop3A_764 = vector.shape_cast %parallel_loop3A_757 : vector<16xf32> to vector<1x1x16xf32>
        tpu.vector_store %arg9[%parallel_loop3A_759, %parallel_loop3A_760, %parallel_loop3A_761], %parallel_loop3A_764 {strides = array<i32>} : memref<3x4x4096xf32, #tpu.memory_space<vmem>>, vector<1x1x16xf32>,
        %parallel_loop3A_765 = arith.constant 1 : i32
        %parallel_loop3A_766 = arith.index_cast %rem3A_144 : i32 to index
        %parallel_loop3A_767 = arith.index_cast %parallel_loop3A_765 : i32 to index
        %parallel_loop3A_768 = arith.index_cast %parallel_loop3A_741 : i32 to index
        %parallel_loop3A_769 = tpu.vector_load %arg9[%parallel_loop3A_766, %parallel_loop3A_767, %parallel_loop3A_768] {strides = array<i32>} : memref<3x4x4096xf32, #tpu.memory_space<vmem>>, vector<1x1x16xf32>,
        %parallel_loop3A_770 = vector.shape_cast %parallel_loop3A_769 : vector<1x1x16xf32> to vector<16xf32>
        %parallel_loop3A_771 = arith.mulf %parallel_loop3A_770, %mul3A_386 : vector<16xf32>
        %parallel_loop3A_772 = arith.addf %parallel_loop3A_771, %mul3A_390 : vector<16xf32>
        %parallel_loop3A_773 = arith.mulf %parallel_loop3A_772, %parallel_loop3A_744 : vector<16xf32>
        %parallel_loop3A_774 = arith.addf %parallel_loop3A_773, %parallel_loop3A_747 : vector<16xf32>
        %parallel_loop3A_775 = arith.constant 1 : i32
        %parallel_loop3A_776 = arith.index_cast %rem3A_144 : i32 to index
        %parallel_loop3A_777 = arith.index_cast %parallel_loop3A_775 : i32 to index
        %parallel_loop3A_778 = arith.index_cast %parallel_loop3A_741 : i32 to index
        %parallel_loop3A_779 = tpu.vector_load %arg9[%parallel_loop3A_776, %parallel_loop3A_777, %parallel_loop3A_778] {strides = array<i32>} : memref<3x4x4096xf32, #tpu.memory_space<vmem>>, vector<1x1x16xf32>,
        %parallel_loop3A_780 = vector.shape_cast %parallel_loop3A_779 : vector<1x1x16xf32> to vector<16xf32>
        %parallel_loop3A_781 = vector.shape_cast %parallel_loop3A_774 : vector<16xf32> to vector<1x1x16xf32>
        tpu.vector_store %arg9[%parallel_loop3A_776, %parallel_loop3A_777, %parallel_loop3A_778], %parallel_loop3A_781 {strides = array<i32>} : memref<3x4x4096xf32, #tpu.memory_space<vmem>>, vector<1x1x16xf32>,
        %parallel_loop3A_782 = arith.constant 2 : i32
        %parallel_loop3A_783 = arith.index_cast %rem3A_144 : i32 to index
        %parallel_loop3A_784 = arith.index_cast %parallel_loop3A_782 : i32 to index
        %parallel_loop3A_785 = arith.index_cast %parallel_loop3A_741 : i32 to index
        %parallel_loop3A_786 = tpu.vector_load %arg9[%parallel_loop3A_783, %parallel_loop3A_784, %parallel_loop3A_785] {strides = array<i32>} : memref<3x4x4096xf32, #tpu.memory_space<vmem>>, vector<1x1x16xf32>,
        %parallel_loop3A_787 = vector.shape_cast %parallel_loop3A_786 : vector<1x1x16xf32> to vector<16xf32>
        %parallel_loop3A_788 = arith.mulf %parallel_loop3A_787, %mul3A_510 : vector<16xf32>
        %parallel_loop3A_789 = arith.addf %parallel_loop3A_788, %mul3A_514 : vector<16xf32>
        %parallel_loop3A_790 = arith.mulf %parallel_loop3A_789, %parallel_loop3A_744 : vector<16xf32>
        %parallel_loop3A_791 = arith.addf %parallel_loop3A_790, %parallel_loop3A_747 : vector<16xf32>
        %parallel_loop3A_792 = arith.constant 2 : i32
        %parallel_loop3A_793 = arith.index_cast %rem3A_144 : i32 to index
        %parallel_loop3A_794 = arith.index_cast %parallel_loop3A_792 : i32 to index
        %parallel_loop3A_795 = arith.index_cast %parallel_loop3A_741 : i32 to index
        %parallel_loop3A_796 = tpu.vector_load %arg9[%parallel_loop3A_793, %parallel_loop3A_794, %parallel_loop3A_795] {strides = array<i32>} : memref<3x4x4096xf32, #tpu.memory_space<vmem>>, vector<1x1x16xf32>,
        %parallel_loop3A_797 = vector.shape_cast %parallel_loop3A_796 : vector<1x1x16xf32> to vector<16xf32>
        %parallel_loop3A_798 = vector.shape_cast %parallel_loop3A_791 : vector<16xf32> to vector<1x1x16xf32>
        tpu.vector_store %arg9[%parallel_loop3A_793, %parallel_loop3A_794, %parallel_loop3A_795], %parallel_loop3A_798 {strides = array<i32>} : memref<3x4x4096xf32, #tpu.memory_space<vmem>>, vector<1x1x16xf32>,
        %parallel_loop3A_799 = arith.constant 3 : i32
        %parallel_loop3A_800 = arith.index_cast %rem3A_144 : i32 to index
        %parallel_loop3A_801 = arith.index_cast %parallel_loop3A_799 : i32 to index
        %parallel_loop3A_802 = arith.index_cast %parallel_loop3A_741 : i32 to index
        %parallel_loop3A_803 = tpu.vector_load %arg9[%parallel_loop3A_800, %parallel_loop3A_801, %parallel_loop3A_802] {strides = array<i32>} : memref<3x4x4096xf32, #tpu.memory_space<vmem>>, vector<1x1x16xf32>,
        %parallel_loop3A_804 = vector.shape_cast %parallel_loop3A_803 : vector<1x1x16xf32> to vector<16xf32>
        %parallel_loop3A_805 = arith.mulf %parallel_loop3A_804, %mul3A_634 : vector<16xf32>
        %parallel_loop3A_806 = arith.addf %parallel_loop3A_805, %mul3A_638 : vector<16xf32>
        %parallel_loop3A_807 = arith.mulf %parallel_loop3A_806, %parallel_loop3A_744 : vector<16xf32>
        %parallel_loop3A_808 = arith.addf %parallel_loop3A_807, %parallel_loop3A_747 : vector<16xf32>
        %parallel_loop3A_809 = arith.constant 3 : i32
        %parallel_loop3A_810 = arith.index_cast %rem3A_144 : i32 to index
        %parallel_loop3A_811 = arith.index_cast %parallel_loop3A_809 : i32 to index
        %parallel_loop3A_812 = arith.index_cast %parallel_loop3A_741 : i32 to index
        %parallel_loop3A_813 = tpu.vector_load %arg9[%parallel_loop3A_810, %parallel_loop3A_811, %parallel_loop3A_812] {strides = array<i32>} : memref<3x4x4096xf32, #tpu.memory_space<vmem>>, vector<1x1x16xf32>,
        %parallel_loop3A_814 = vector.shape_cast %parallel_loop3A_813 : vector<1x1x16xf32> to vector<16xf32>
        %parallel_loop3A_815 = vector.shape_cast %parallel_loop3A_808 : vector<16xf32> to vector<1x1x16xf32>
        tpu.vector_store %arg9[%parallel_loop3A_810, %parallel_loop3A_811, %parallel_loop3A_812], %parallel_loop3A_815 {strides = array<i32>} : memref<3x4x4096xf32, #tpu.memory_space<vmem>>, vector<1x1x16xf32>,
      } {sc.loop_unroll_factor = 2 : i64, sc.parallel_access}
      %rem3A_642 = arith.constant 3 : i32
      %rem3A_643 = arith.remsi %scan3A_112, %rem3A_642 : i32
      %mul3A_644 = arith.constant 4 : i32
      %mul3A_645 = arith.muli %scan3A_112, %mul3A_644 : i32
      %add3A_646 = arith.addi %mul3A_2, %mul3A_645 : i32
      %dma_start3A_647 = arith.constant 0 : i32
      %dma_start3A_648 = arith.constant 0 : i32
      %dma_start3A_649 = tpu.memref_slice %arg9[%rem3A_643, %dma_start3A_647, %dma_start3A_648] : memref<3x4x4096xf32, #tpu.memory_space<vmem>> -> memref<1x4x4096xf32, #tpu.memory_space<vmem>>
      %dma_start3A_650 = tpu.memref_squeeze %dma_start3A_649 : memref<1x4x4096xf32, #tpu.memory_space<vmem>> -> memref<4x4096xf32, #tpu.memory_space<vmem>>
      %dma_start3A_651 = arith.constant 0 : i32
      %dma_start3A_652 = tpu.memref_slice %arg7[%add3A_646, %dma_start3A_651] : memref<8192x4096xf32, #tpu.memory_space<hbm>> -> memref<4x4096xf32, #tpu.memory_space<hbm>>
      %dma_start3A_653 = arith.constant 0 : i32
      %dma_start3A_654 = tpu.memref_slice %arg7[%add3A_646, %dma_start3A_653] : memref<8192x4096xf32, #tpu.memory_space<hbm>> -> memref<4x4096xf32, #tpu.memory_space<hbm>>
      %dma_start3A_655 = arith.constant 0 : i32
      %dma_start3A_656 = arith.constant 0 : i32
      %dma_start3A_657 = tpu.memref_slice %arg9[%rem3A_643, %dma_start3A_655, %dma_start3A_656] : memref<3x4x4096xf32, #tpu.memory_space<vmem>> -> memref<1x4x4096xf32, #tpu.memory_space<vmem>>
      %dma_start3A_658 = tpu.memref_squeeze %dma_start3A_657 : memref<1x4x4096xf32, #tpu.memory_space<vmem>> -> memref<4x4096xf32, #tpu.memory_space<vmem>>
      tpu.enqueue_dma source(%dma_start3A_658 : memref<4x4096xf32, #tpu.memory_space<vmem>>) target(%dma_start3A_654 : memref<4x4096xf32, #tpu.memory_space<hbm>>) target_semaphore(%arg15 : memref<!tpu.dma_semaphore, #tpu.memory_space<semaphore_mem>>)
    }
    %scan3A_73 = arith.constant 64 : i32
    %dma_wait3A = arith.constant 0 : i32
    %dma_wait3A_74 = arith.constant 0 : i32
    %dma_wait3A_75 = arith.constant 0 : i32
    %dma_wait3A_76 = tpu.memref_slice %arg9[%dma_wait3A, %dma_wait3A_74, %dma_wait3A_75] : memref<3x4x4096xf32, #tpu.memory_space<vmem>> -> memref<1x4x4096xf32, #tpu.memory_space<vmem>>
    %dma_wait3A_77 = tpu.memref_squeeze %dma_wait3A_76 : memref<1x4x4096xf32, #tpu.memory_space<vmem>> -> memref<4x4096xf32, #tpu.memory_space<vmem>>
    %dma_wait3A_78 = arith.constant 0 : i32
    %dma_wait3A_79 = tpu.memref_slice %arg7[%mul3A_2, %dma_wait3A_78] : memref<8192x4096xf32, #tpu.memory_space<hbm>> -> memref<4x4096xf32, #tpu.memory_space<hbm>>
    %dma_wait3A_80 = arith.constant 0 : i32
    %dma_wait3A_81 = tpu.memref_slice %arg7[%mul3A_2, %dma_wait3A_80] : memref<8192x4096xf32, #tpu.memory_space<hbm>> -> memref<4x4096xf32, #tpu.memory_space<hbm>>
    %dma_wait3A_82 = arith.constant 0 : i32
    %dma_wait3A_83 = arith.constant 0 : i32
    %dma_wait3A_84 = tpu.memref_slice %arg9[%dma_wait3A, %dma_wait3A_82, %dma_wait3A_83] : memref<3x4x4096xf32, #tpu.memory_space<vmem>> -> memref<1x4x4096xf32, #tpu.memory_space<vmem>>
    %dma_wait3A_85 = tpu.memref_squeeze %dma_wait3A_84 : memref<1x4x4096xf32, #tpu.memory_space<vmem>> -> memref<4x4096xf32, #tpu.memory_space<vmem>>
    tpu.wait_dma2 semaphore(%arg15 : memref<!tpu.dma_semaphore, #tpu.memory_space<semaphore_mem>>) src(%dma_wait3A_85 : memref<4x4096xf32, #tpu.memory_space<vmem>>) dst(%dma_wait3A_81 : memref<4x4096xf32, #tpu.memory_space<hbm>>)
    %dma_wait3A_86 = arith.constant 0 : i32
    %dma_wait3A_87 = arith.constant 0 : i32
    %dma_wait3A_88 = arith.constant 0 : i32
    %dma_wait3A_89 = tpu.memref_slice %arg9[%dma_wait3A_86, %dma_wait3A_87, %dma_wait3A_88] : memref<3x4x4096xf32, #tpu.memory_space<vmem>> -> memref<1x4x4096xf32, #tpu.memory_space<vmem>>
    %dma_wait3A_90 = tpu.memref_squeeze %dma_wait3A_89 : memref<1x4x4096xf32, #tpu.memory_space<vmem>> -> memref<4x4096xf32, #tpu.memory_space<vmem>>
    %dma_wait3A_91 = arith.constant 0 : i32
    %dma_wait3A_92 = tpu.memref_slice %arg7[%mul3A_2, %dma_wait3A_91] : memref<8192x4096xf32, #tpu.memory_space<hbm>> -> memref<4x4096xf32, #tpu.memory_space<hbm>>
    %dma_wait3A_93 = arith.constant 0 : i32
    %dma_wait3A_94 = tpu.memref_slice %arg7[%mul3A_2, %dma_wait3A_93] : memref<8192x4096xf32, #tpu.memory_space<hbm>> -> memref<4x4096xf32, #tpu.memory_space<hbm>>
    %dma_wait3A_95 = arith.constant 0 : i32
    %dma_wait3A_96 = arith.constant 0 : i32
    %dma_wait3A_97 = tpu.memref_slice %arg9[%dma_wait3A_86, %dma_wait3A_95, %dma_wait3A_96] : memref<3x4x4096xf32, #tpu.memory_space<vmem>> -> memref<1x4x4096xf32, #tpu.memory_space<vmem>>
    %dma_wait3A_98 = tpu.memref_squeeze %dma_wait3A_97 : memref<1x4x4096xf32, #tpu.memory_space<vmem>> -> memref<4x4096xf32, #tpu.memory_space<vmem>>
    tpu.wait_dma2 semaphore(%arg15 : memref<!tpu.dma_semaphore, #tpu.memory_space<semaphore_mem>>) src(%dma_wait3A_98 : memref<4x4096xf32, #tpu.memory_space<vmem>>) dst(%dma_wait3A_94 : memref<4x4096xf32, #tpu.memory_space<hbm>>)
    %dma_wait3A_99 = arith.constant 0 : i32
    %dma_wait3A_100 = arith.constant 0 : i32
    %dma_wait3A_101 = arith.constant 0 : i32
    %dma_wait3A_102 = tpu.memref_slice %arg9[%dma_wait3A_99, %dma_wait3A_100, %dma_wait3A_101] : memref<3x4x4096xf32, #tpu.memory_space<vmem>> -> memref<1x4x4096xf32, #tpu.memory_space<vmem>>
    %dma_wait3A_103 = tpu.memref_squeeze %dma_wait3A_102 : memref<1x4x4096xf32, #tpu.memory_space<vmem>> -> memref<4x4096xf32, #tpu.memory_space<vmem>>
    %dma_wait3A_104 = arith.constant 0 : i32
    %dma_wait3A_105 = tpu.memref_slice %arg7[%mul3A_2, %dma_wait3A_104] : memref<8192x4096xf32, #tpu.memory_space<hbm>> -> memref<4x4096xf32, #tpu.memory_space<hbm>>
    %dma_wait3A_106 = arith.constant 0 : i32
    %dma_wait3A_107 = tpu.memref_slice %arg7[%mul3A_2, %dma_wait3A_106] : memref<8192x4096xf32, #tpu.memory_space<hbm>> -> memref<4x4096xf32, #tpu.memory_space<hbm>>
    %dma_wait3A_108 = arith.constant 0 : i32
    %dma_wait3A_109 = arith.constant 0 : i32
    %dma_wait3A_110 = tpu.memref_slice %arg9[%dma_wait3A_99, %dma_wait3A_108, %dma_wait3A_109] : memref<3x4x4096xf32, #tpu.memory_space<vmem>> -> memref<1x4x4096xf32, #tpu.memory_space<vmem>>
    %dma_wait3A_111 = tpu.memref_squeeze %dma_wait3A_110 : memref<1x4x4096xf32, #tpu.memory_space<vmem>> -> memref<4x4096xf32, #tpu.memory_space<vmem>>
    tpu.wait_dma2 semaphore(%arg15 : memref<!tpu.dma_semaphore, #tpu.memory_space<semaphore_mem>>) src(%dma_wait3A_111 : memref<4x4096xf32, #tpu.memory_space<vmem>>) dst(%dma_wait3A_107 : memref<4x4096xf32, #tpu.memory_space<hbm>>)
    return
  }
}

</mosaic_0001>

<sc_bundles>
// kernel: _run.3.cloned.1.call-start
scs
__scs_entry_jumppad:
0x0: {  	(pc) =	sbr.rel $0x88, $3  }
0x1: {  	(tag) =	ssettag $0x0;
	lr =	simm.s32 $0x1  }
0x2: {  	[smem:$0x3F9C] =	sst lr;
	_ =	strace $0xD0000000  }
0x3: {  	_ = 	snop  }
0x4: {  	_ = 	snop  }
0x5: {  	_ = 	snop  }
0x6: {  	_ = 	snop  }
0x7: {  	_ = 	snop  }
__scs_overlays_trampoline_lowered:
0x8: {  	[smem:$0x3FAB] =	sst s0  }
0x9: {  	[smem:$0x3FAC] =	sst s1  }
0xa: {  	[smem:$0x3FAD] =	sst s2  }
0xb: {  	[smem:$0x3FAE] =	sst s3  }
0xc: {  	[smem:$0x3FAF] =	sst s4  }
0xd: {  	[smem:$0x3FB0] =	sst s5  }
0xe: {  	[smem:$0x3FB1] =	sst s6  }
0xf: {  	[smem:$0x3FB2] =	sst s7  }
0x10: {  	[smem:$0x3FB3] =	sst s8  }
0x11: {  	[smem:$0x3FB4] =	sst s9;
	s0 =	simm.s32 @!p0 $0x0  }
0x12: {  	s1 =	sld [smem:$0x3F9A];
	s0 =	simm.s32 @p0 $0x1  }
0x13: {  	[smem:$0x3FB5] =	sst s0;
	s0 =	simm.s32 @!p1 $0x0  }
0x14: {  	s2 =	sld [smem:$0x3F99];
	s0 =	simm.s32 @p1 $0x1  }
0x15: {  	[smem:$0x3FB6] =	sst s0;
	s0 =	simm.s32 @!p2 $0x0  }
0x16: {  	s3 =	sld [smem:$0x3FDB];
	s0 =	simm.s32 @p2 $0x1  }
0x17: {  	s4 =	simm.s32 $0x1BF5;
	[smem:$0x3FB8] =	sst s0  }
0x18: {  	s0 =	sld [smem:$0x3F9B];
	_ =	swait.ge [sflag:s4], $0x0  }
0x19: {  	s7 =	sld [smem:$0x3F9C]  }
0x1a: {  	s8 =	sadd.s32 $0xFFFFE003, lr  }
0x1b: {  	s9 =	sadd.s32 $0xFFFFFEF7, lr;
	s5 =	simm.s32 $0xFFFFFFFF;
	p2 =	slt.u32 s8, $0xFFFFF086  }
0x1c: {  	p1 =	slt.u32 s9, $0xF7A;
	s5 =	simm.s32 @!p2 $0x0  }
0x1d: {  	s5 =	simm.s32 @p1 $0x1;
	p0 =	seq.s32 s7, s2  }
0x1e: {  	s7 =	smul.u32 @!p0 $0xF7A, s2;
	p2 =	seq.s32 @!p0 s5, $0x0  }
0x1f: {  	s9 =	smul.u32 $0xF7A, s1;
	s8 =	simm.s32 @!p0 $0x1BF5;
	p2 =	por !p2, p0  }
0x20: {  	[sflag:s8] =	ssyncset.s32 @!p0 $0xFFFFF086;
	s6 =	sadd.s32 @!p0 s3, s7;
	s7 =	simm.s32 @!p0 $0x108  }
0x21: {  	s3 =	sadd.s32 s3, s9;
	s6 =	sadd.s32 @!p0 $0x88, s6;
	s7 =	simm.s32 @p2 $0x1082  }
0x22: {  	[simem:s7], [sflag:s8] =	dma.local @!p0 [hbm:s6], $0xF7A  }
0x23: {  	s9 =	sor.u32 $0xD0000000, s2;
	s6 =	simm.s32 $0x108;
	_ =	swait.ge @!p0 [sflag:s8], $0x0  }
0x24: {  	s3 =	sadd.s32 $0x88, s3;
	s6 =	simm.s32 @!p1 $0x1082;
	[sflag:s4] =	ssyncset.s32 $0xFFFFF086  }
0x25: {  	[simem:s6], [sflag:s4] =	dma.local [hbm:s3], $0xF7A  }
0x26: {  	[smem:$0x3F9C] =	sst s1;
	(tag) =	ssettag s2;
	_ =	strace s9  }
0x27: {  	s1 =	sld [smem:$0x3FAC]  }
0x28: {  	s2 =	sld [smem:$0x3FAD]  }
0x29: {  	s4 =	sld [smem:$0x3FAF]  }
0x2a: {  	p0 =	seq.s32 s5, $0x0;
	s5 =	sld [smem:$0x3FB0]  }
0x2b: {  	s6 =	sld [smem:$0x3FB1]  }
0x2c: {  	s7 =	sld [smem:$0x3FB2]  }
0x2d: {  	s3 =	simm.s32 $0x108;
	s8 =	sld [smem:$0x3FB3]  }
0x2e: {  	s3 =	simm.s32 @!p0 $0x1082;
	s9 =	sld [smem:$0x3FB4]  }
0x2f: {  	lr =	sadd.s32 s0, s3;
	s0 =	sld [smem:$0x3FAB]  }
0x30: {  	s3 =	sld [smem:$0x3FAE]  }
0x31: {  	[smem:$0x3FB7] =	sst s10  }
0x32: {  	s10 =	sld [smem:$0x3FB5];
	_ =	sdelay $0x3  }
0x33: {  	p0 =	seq.s32 s10, $0x1;
	s10 =	sld [smem:$0x3FB7];
	_ =	sdelay $0x3  }
0x34: {  	[smem:$0x3FB7] =	sst s10  }
0x35: {  	s10 =	sld [smem:$0x3FB6];
	_ =	sdelay $0x3  }
0x36: {  	p1 =	seq.s32 s10, $0x1;
	s10 =	sld [smem:$0x3FB7];
	_ =	sdelay $0x3  }
0x37: {  	[smem:$0x3FB7] =	sst s10  }
0x38: {  	s10 =	sld [smem:$0x3FB8]  }
0x39: {  	_ = 	snop;
	(pc) =	sbr.ind lr, $3  }
0x3a: {  	_ = 	snop  }
0x3b: {  	_ = 	snop  }
0x3c: {  	p2 =	seq.s32 s10, $0x1;
	s10 =	sld [smem:$0x3FB7]  }
0x3d: {  	_ =	shalt  }
0x3e: {  	_ =	shalt  }
0x3f: {  	_ =	shalt  }
0x40: {  	_ =	shalt  }
0x41: {  	_ =	shalt  }
0x42: {  	_ =	shalt  }
0x43: {  	_ =	shalt  }
0x44: {  	_ =	shalt  }
0x45: {  	_ =	shalt  }
0x46: {  	_ =	shalt  }
0x47: {  	_ =	shalt  }
0x48: {  	_ =	shalt  }
0x49: {  	_ =	shalt  }
0x4a: {  	_ =	shalt  }
0x4b: {  	_ =	shalt  }
0x4c: {  	_ =	shalt  }
0x4d: {  	_ =	shalt  }
0x4e: {  	_ =	shalt  }
0x4f: {  	_ =	shalt  }
0x50: {  	_ =	shalt  }
0x51: {  	_ =	shalt  }
0x52: {  	_ =	shalt  }
0x53: {  	_ =	shalt  }
0x54: {  	_ =	shalt  }
0x55: {  	_ =	shalt  }
0x56: {  	_ =	shalt  }
0x57: {  	_ =	shalt  }
0x58: {  	_ =	shalt  }
0x59: {  	_ =	shalt  }
0x5a: {  	_ =	shalt  }
0x5b: {  	_ =	shalt  }
0x5c: {  	_ =	shalt  }
0x5d: {  	_ =	shalt  }
0x5e: {  	_ =	shalt  }
0x5f: {  	_ =	shalt  }
0x60: {  	_ =	shalt  }
0x61: {  	_ =	shalt  }
0x62: {  	_ =	shalt  }
0x63: {  	_ =	shalt  }
0x64: {  	_ =	shalt  }
0x65: {  	_ =	shalt  }
0x66: {  	_ =	shalt  }
0x67: {  	_ =	shalt  }
0x68: {  	_ =	shalt  }
0x69: {  	_ =	shalt  }
0x6a: {  	_ =	shalt  }
0x6b: {  	_ =	shalt  }
0x6c: {  	_ =	shalt  }
0x6d: {  	_ =	shalt  }
0x6e: {  	_ =	shalt  }
0x6f: {  	_ =	shalt  }
0x70: {  	_ =	shalt  }
0x71: {  	_ =	shalt  }
0x72: {  	_ =	shalt  }
0x73: {  	_ =	shalt  }
0x74: {  	_ =	shalt  }
0x75: {  	_ =	shalt  }
0x76: {  	_ =	shalt  }
0x77: {  	_ =	shalt  }
0x78: {  	_ =	shalt  }
0x79: {  	_ =	shalt  }
0x7a: {  	_ =	shalt  }
0x7b: {  	_ =	shalt  }
0x7c: {  	_ =	shalt  }
0x7d: {  	_ =	shalt  }
0x7e: {  	_ =	shalt  }
0x7f: {  	_ =	shalt  }
0x80: {  	_ =	shalt  }
0x81: {  	_ =	shalt  }
0x82: {  	_ =	shalt  }
0x83: {  	_ =	shalt  }
0x84: {  	_ =	shalt  }
0x85: {  	_ =	shalt  }
0x86: {  	_ =	shalt  }
0x87: {  	_ =	shalt  }
.Lfunc_end0:
.L_simem_size_0:
called_computation_lowered:
.L_overlay_start_0:
0x88: {  	s2 =	sld [smem:$0x3FD9]  }
0x89: {  	s3 =	sld [smem:$0x3FFE];
	_ =	sdelay $0x1  }
0x8a: {  	s1 =	srdreg.scid  }
0x8b: {  	s0 =	sand.u32 $0x1, s1  }
0x8c: {  	s18 =	sshll.u32 s0, $0xA;
	s2 =	sadd.s32 s3, s2  }
0x8d: {  	s2 =	sadd.s32 s2, s18  }
0x8e: {  	[smem:$0x3FC3] =	sst s2  }
0x8f: {  	_ = 	snop  }
0x90: {  	s2 =	sld [smem:$0x3FC9]  }
0x91: {  	s19 =	sld [smem:$0x3FC8]  }
0x92: {  	s4 =	sld [smem:$0x3FC7]  }
0x93: {  	s5 =	sld [smem:$0x3FC6]  }
0x94: {  	s6 =	sld [smem:$0x3FC5]  }
0x95: {  	s7 =	sld [smem:$0x3FD0];
	(tm) =	ssettm $0x1  }
0x96: {  	s8 =	sld [smem:$0x3FFB];
	_ =	sdelay $0x3  }
0x97: {  	_ =	strace s8  }
0x98: {  	s8 =	sld [smem:$0x3FFC];
	_ =	sdelay $0x3  }
0x99: {  	_ =	strace s8  }
0x9a: {  	s8 =	sld [smem:$0x3FFD];
	_ =	sdelay $0x3  }
0x9b: {  	_ =	strace s8  }
0x9c: {  	_ =	strace $0x8FFFFFFF  }
0x9d: {  	s20 =	sld [smem:$0x3FDB];
	_ =	sdelay $0x1  }
0x9e: {  	s9 =	simm.s32 $_scs_section_size  }
0x9f: {  	s10 =	simm.s32 $_size__tile_overlayer_lowered;
	s11 =	simm.s32 $_tile_overlayer_lowered  }
0xa0: {  	s23 =	simm.s32 $0x1BFF;
	s22 =	sshll.u32 s11, $0x1;
	s8 =	sadd.s32 s9, s20  }
0xa1: {  	s12 =	simm.s32 $0x0;
	s21 =	sshll.u32 s10, $0x1;
	s10 =	sadd.s32 s22, s8  }
0xa2: {  	[timem:s12], [sflag:s23] =	dma.local [hbm:s10], s21  }
0xa3: {  	_ =	swait.ge [sflag:s23], s21  }
0xa4: {  	s9 =	ssub.s32 $0x0, s21;
	[sflag:s23] =	ssyncset.done $0x0  }
0xa5: {  	[sflag:s23] =	ssyncadd.s32 s9;
	_ =	sdelay $0x1  }
0xa6: {  	s24 =	simm.s32 $0x1B8B  }
0xa7: {  	_ =	swait.ge [sflag:s24], $0x1  }
0xa8: {  	[sflag:s24] =	ssyncset.done $0x0  }
0xa9: {  	s25 =	simm.s32 $0x1B8E;
	[sflag:s24] =	ssyncadd.s32 $0xFFFFFFFF  }
0xaa: {  	s26 =	simm.s32 $execute0_lowered;
	[smem:$0x3FD2] =	sst s25  }
0xab: {  	s9 =	sshll.u32 s26, $0x1;
	_ =	strace $0x80000046;
	[dreg:$0x1] =	wrdreg $0xFFFFFFFF  }
0xac: {  	s28 =	simm.s32 $_size_execute0_lowered;
	s8 =	sadd.s32 s8, s9;
	[dreg:$0x0] =	wrdreg $0x0  }
0xad: {  	s9 =	sshll.u32 s28, $0x1;
	[dreg:$0x2] =	wrdreg s8  }
0xae: {  	[dreg:$0x3] =	wrdreg s9  }
0xaf: {  	[dreg:$0x4] =	wrdreg $0xC0  }
0xb0: {  	_ =	task [dreg:s12], $0x5FFFF  }
0xb1: {  	[dreg:$0x1] =	wrdreg $0xFFFFFFFF  }
0xb2: {  	[dreg:$0x0] =	wrdreg $0x60  }
0xb3: {  	[dreg:$0x2] =	wrdreg s2  }
0xb4: {  	[dreg:$0x3] =	wrdreg s19  }
0xb5: {  	[dreg:$0x4] =	wrdreg s4  }
0xb6: {  	[dreg:$0x5] =	wrdreg s5  }
0xb7: {  	[dreg:$0x6] =	wrdreg s6  }
0xb8: {  	[dreg:$0x7] =	wrdreg s7  }
0xb9: {  	[dreg:$0x8] =	wrdreg $0x9  }
0xba: {  	_ =	task.clear_ibuf [dreg:s12], $0x9FFFF;
	_ =	strace $0x90000046  }
0xbb: {  	s29 =	simm.s32 $0x9;
	_ =	strace $0x80000048  }
0xbc: {  	_ =	swait.ge [sflag:s29], $0x1  }
0xbd: {  	[sflag:s29] =	ssyncadd.s32 $0xFFFFFFFF  }
0xbe: {  	_ =	strace $0x90000048  }
0xbf: {  	_ =	sfence  }
0xc0: {  	s30 =	sld [smem:$0x0];
	_ =	sdelay $0x2  }
0xc1: {  	s31 =	sshll.u32 s1, $0xD;
	s1 =	sshrl.u32 s1, $0x2  }
0xc2: {  	s3 =	sand.u32 $0x4000, s31;
	s1 =	sadd.s32 s1, s30  }
0xc3: {  	s0 =	sor.u32 s3, s0;
	s1 =	sshll.u32 s1, $0x11  }
0xc4: {  	s0 =	sor.u32 s1, s0  }
0xc5: {  	s0 =	sadd.s32 $0x8F2B, s0  }
0xc6: {  	[sflag:s0] =	ssyncadd.remote.s32 $0x1  }
0xc7: {  	_ =	sfence.sel $0xFFFF  }
0xc8: {  	[dreg:$0x0] =	wrdreg $0xFFFFFFFF;
	(pc) =	sbr.abs _section_cstart, $3  }
0xc9: {  	[dreg:$0x1] =	wrdreg $0xFFFFFFFF  }
0xca: {  	_ =	task.clear_ibuf [dreg:s12], $0x2FFFF;
	_ =	strace $0x9FFFFFFF  }
0xcb: {  	(tm) =	ssettm $0x7FFFFFFF  }
tec
execute0_lowered:
.L_overlay_start_1:
0x0: {  	(tag) =	ssettag $0x1  }
0x1: {  	s1 =	rddreg [dreg:$0x0]  }
0x2: {  	s0 =	rddreg [dreg:$0x1]  }
0x3: {  	s2 =	rddreg [dreg:$0x2];
	v0 =	vimm.s32 $0xFEDCBA9;
	v1 =	vimm.s32 $0x87654321  }
0x4: {  	s3 =	rddreg [dreg:$0x5];
	s6 =	simm.s32 $0x0;
	v2 =	vimm.s32 $0x10FEDCBA;
	v0 =	vunpack.c.l.s4.s8 v0;
	v1 =	vunpack.c.l.s4.s8 v1  }
0x5: {  	s4 =	srdreg.scid;
	s5 =	stileid.u32;
	v3 =	vimm.s32 $0x98765432;
	v4 =	vimm.s32 $0x3210FEDC;
	s23 =	simm.s32 $0x400  }
0x6: {  	s24 =	simm.s32 $0x200;
	s31 =	simm.s32 $0x1;
	[smem:$0x7FF] =	sst s6;
	v2 =	vunpack.c.l.s4.s8 v2;
	v0 =	vunpack.c.0.s8.s32 v0;
	v1 =	vunpack.c.0.s8.s32 v1  }
0x7: {  	v5 =	vimm.s32 $0xBA987654;
	s4 =	sand.u32 $0x1, s4;
	s5 =	sshll.u32 s5, $0x1;
	s10 =	sadd.s32 $0x200, s2;
	v3 =	vunpack.c.l.s4.s8 v3;
	v4 =	vunpack.c.l.s4.s8 v4  }
0x8: {  	s11 =	sadd.s32 $0x400, s2;
	s12 =	sadd.s32 $0x600, s2;
	s13 =	sadd.s32 $0x800, s2;
	v6 =	vcombine.low v1, v0;
	v0 =	vunpack.c.0.s8.s32 v2;
	v1 =	vunpack.c.l.s4.s8 v5  }
0x9: {  	s14 =	sadd.s32 $0xA00, s2;
	s26 =	ssub.s32 $0x2, s4;
	s4 =	sor.u32 s4, s5;
	v2 =	vunpack.c.0.s8.s32 v3;
	v3 =	vunpack.c.0.s8.s32 v4;
	v4 =	vimm.s32 $0xFEDCBA98  }
0xa: {  	s15 =	sadd.s32 $0xC00, s2;
	s7 =	sshll.u32 s4, $0x11;
	s4 =	sshll.u32 s4, $0x6;
	v5 =	vimm.s32 $0x76543210;
	v4 =	vunpack.c.l.s4.s8 v4;
	v1 =	vunpack.c.0.s8.s32 v1  }
0xb: {  	vm0 =	vmmov $0xffff;
	s16 =	sadd.s32 $0xE00, s2;
	_ =	strace $0x80000047;
	s0 =	sadd.s32 s0, s4;
	v7 =	vcombine.low v2, v0;
	v2 =	vunpack.c.l.s4.s8 v5  }
0xc: {  	s28 =	sshrl.u32 s26, $0x1;
	s29 =	sadd.s32 s1, s7;
	[dreg:$0x7] =	wrdreg s0;
	v0 =	vlaneseq.u32;
	v5 =	vcombine.low v1, v3;
	v3 =	vunpack.c.0.s8.s32 v4  }
0xd: {  	s5 =	ssub.s32 s26, s28;
	[dreg:$0x8] =	wrdreg s29;
	s0 =	sadd.s32 $0x40, s29;
	v1 =	vshrl.u32 v0, $0x2;
	v0 =	vand.u32 $0x3, v0;
	v8 =	vunpack.c.0.s8.s32 v2  }
0xe: {  	s18 =	sadd.s32 s3, s7;
	s30 =	smax.u32 s5, $0x1;
	[dreg:$0x9] =	wrdreg s0;
	v2 =	vand.u32 $0xF, v6;
	v1 =	vmul.u32 $0x8, v1;
	v6 =	vand.u32 $0xF, v3  }
0xf: {  	s4 =	simm.s32 $0x0;
	[dreg:$0xa] =	wrdreg s30;
	s0 =	simm.s32 $0x2;
	v3 =	vand.u32 $0xF, v7;
	v4 =	vand.u32 $0xF, v5;
	v5 =	vcombine.low v6, v8  }
.LBB2_1:
0x10: {  	[dreg:$0xb] =	wrdreg s4  }
0x11: {  	s3 =	simm.s32 $0x0;
	s1 =	rddreg [dreg:$0x7];
	s26 =	simm.s32 $0x4  }
0x12: {  	[tilespmem:s3], [sflag:$0x4] =	stream.linear.gather [hbm4b:s1+s3], $0x200, $0x38;
	[tilespmem:$0x1A200] =	vst v63  }
0x13: {  	_ =	swait.ge [sflag:s26], $0x200  }
0x14: {  	[sflag:s26] =	ssyncset.done $0x0  }
0x15: {  	[sflag:s26] =	ssyncadd.s32 $0xFFFFFE00  }
0x16: {  	s5 =	simm.s32 $0x18200;
	s28 =	rddreg [dreg:$0x3]  }
0x17: {  	[tilespmem:s5], [sflag:$0x4] =	stream.linear.gather [hbm4b:s28+s3], $0x1000, $0x38;
	[tilespmem:$0x1A200] =	vst v63  }
0x18: {  	_ =	swait.ge [sflag:s26], $0x1000  }
0x19: {  	[sflag:s26] =	ssyncset.done $0x0  }
0x1a: {  	[sflag:s26] =	ssyncadd.s32 $0xFFFFF000  }
0x1b: {  	s30 =	simm.s32 $0x19200;
	s29 =	rddreg [dreg:$0x4]  }
0x1c: {  	[tilespmem:s30], [sflag:$0x4] =	stream.linear.gather [hbm4b:s29+s3], $0x1000, $0x38;
	[tilespmem:$0x1A200] =	vst v63  }
0x1d: {  	_ =	swait.ge [sflag:s26], $0x1000  }
0x1e: {  	[sflag:s26] =	ssyncset.done $0x0  }
0x1f: {  	s4 =	simm.s32 $0x0;
	s6 =	simm.s32 $0x40;
	[sflag:s26] =	ssyncadd.s32 $0xFFFFF000  }
.LBB2_2:
0x20: {  	p0 =	sne.s32 s6, $0x7C0;
	v6 =	vld [tilespmem:s4+$0x0];
	_ =	sdelay $0x1  }
.Ltmp0:
0x21: {  	(pc) =	sbr.rel @p0 .LBB2_2-.Ltmp0, $3  }
0x22: {  	_ =	sdelay $0x1  }
0x23: {  	v6 =	vadd.s32 $0x1, v6  }
0x24: {  	[tilespmem:s4+$0x0] =	vst v6;
	s4 =	sshra.s32 s6, $0x2;
	s6 =	sadd.s32 $0x40, s6  }
0x25: {  	v6 =	vld [tilespmem:s4+$0x0];
	_ =	sdelay $0x4  }
0x26: {  	v6 =	vadd.s32 $0x1, v6  }
0x27: {  	s1 =	rddreg [dreg:$0x8];
	[tilespmem:s4+$0x0] =	vst v6  }
0x28: {  	[tilespmem:s24], [sflag:$0x1] =	stream.strided.gather [hbm4b:s1+s24], $0x4000, s23, s24, $0x38;
	[tilespmem:$0x1A200] =	vst v63  }
0x29: {  	v6 =	vld.msk [tilespmem:$0x0], $0xf;
	_ =	sdelay $0x4  }
0x2a: {  	v7 =	vshll.u32 v6, $0x5  }
0x2b: {  	v6 =	vand.u32 $0x7, v6;
	v7 =	vand.u32 $0xFFFFFF00, v7  }
0x2c: {  	v6 =	vor.u32 v6, v7  }
0x2d: {  	v6 =	vperm.xlane v6, v0;
	_ =	sdelay $0x1  }
0x2e: {  	v6 =	vadd.s32 v1, v6;
	_ =	sdelay $0x3  }
0x2f: {  	s29 =	simm.s32 $0xC200;
	s4 =	simm.s32 $0x0  }
0x30: {  	[tilespmem:s29], [sflag:$0x2] =	stream.indirect_vreg.gather [hbm4b:s2+s4], $0x80, v6, vm0, $0xb8;
	[tilespmem:$0x1A200] =	vst v63  }
0x31: {  	s30 =	simm.s32 $0xCA00  }
0x32: {  	[tilespmem:s30], [sflag:$0x2] =	stream.indirect_vreg.gather [hbm4b:s10+s4], $0x80, v6, vm0, $0xb8;
	[tilespmem:$0x1A200] =	vst v63  }
0x33: {  	s3 =	simm.s32 $0xD200  }
0x34: {  	[tilespmem:s3], [sflag:$0x2] =	stream.indirect_vreg.gather [hbm4b:s11+s4], $0x80, v6, vm0, $0xb8;
	[tilespmem:$0x1A200] =	vst v63  }
0x35: {  	s5 =	simm.s32 $0xDA00  }
0x36: {  	[tilespmem:s5], [sflag:$0x2] =	stream.indirect_vreg.gather [hbm4b:s12+s4], $0x80, v6, vm0, $0xb8;
	[tilespmem:$0x1A200] =	vst v63  }
0x37: {  	s6 =	simm.s32 $0xE200  }
0x38: {  	[tilespmem:s6], [sflag:$0x2] =	stream.indirect_vreg.gather [hbm4b:s13+s4], $0x80, v6, vm0, $0xb8;
	[tilespmem:$0x1A200] =	vst v63  }
0x39: {  	s8 =	simm.s32 $0xEA00  }
0x3a: {  	[tilespmem:s8], [sflag:$0x2] =	stream.indirect_vreg.gather [hbm4b:s14+s4], $0x80, v6, vm0, $0xb8;
	[tilespmem:$0x1A200] =	vst v63  }
0x3b: {  	s9 =	simm.s32 $0xF200  }
0x3c: {  	[tilespmem:s9], [sflag:$0x2] =	stream.indirect_vreg.gather [hbm4b:s15+s4], $0x80, v6, vm0, $0xb8;
	[tilespmem:$0x1A200] =	vst v63  }
0x3d: {  	s17 =	simm.s32 $0xFA00  }
0x3e: {  	[tilespmem:s17], [sflag:$0x2] =	stream.indirect_vreg.gather [hbm4b:s16+s4], $0x80, v6, vm0, $0xb8;
	[tilespmem:$0x1A200] =	vst v63  }
0x3f: {  	s19 =	rddreg [dreg:$0x9];
	s3 =	simm.s32 $0x4200  }
0x40: {  	[tilespmem:s3], [sflag:$0x1] =	stream.strided.gather [hbm4b:s19+s24], $0x4000, s23, s24, $0x38;
	[tilespmem:$0x1A200] =	vst v63  }
0x41: {  	v6 =	vld.msk [tilespmem:$0x8], $0xf;
	_ =	sdelay $0x4  }
0x42: {  	v7 =	vshll.u32 v6, $0x5  }
0x43: {  	v6 =	vand.u32 $0x7, v6;
	v7 =	vand.u32 $0xFFFFFF00, v7  }
0x44: {  	v6 =	vor.u32 v6, v7  }
0x45: {  	v6 =	vperm.xlane v6, v0;
	_ =	sdelay $0x1  }
0x46: {  	v6 =	vadd.s32 v1, v6;
	_ =	sdelay $0x3  }
0x47: {  	s20 =	simm.s32 $0x10200  }
0x48: {  	[tilespmem:s20], [sflag:$0x2] =	stream.indirect_vreg.gather [hbm4b:s2+s4], $0x80, v6, vm0, $0xb8;
	[tilespmem:$0x1A200] =	vst v63  }
0x49: {  	s21 =	simm.s32 $0x10A00  }
0x4a: {  	[tilespmem:s21], [sflag:$0x2] =	stream.indirect_vreg.gather [hbm4b:s10+s4], $0x80, v6, vm0, $0xb8;
	[tilespmem:$0x1A200] =	vst v63  }
0x4b: {  	s22 =	simm.s32 $0x11200  }
0x4c: {  	[tilespmem:s22], [sflag:$0x2] =	stream.indirect_vreg.gather [hbm4b:s11+s4], $0x80, v6, vm0, $0xb8;
	[tilespmem:$0x1A200] =	vst v63  }
0x4d: {  	s25 =	simm.s32 $0x11A00  }
0x4e: {  	[tilespmem:s25], [sflag:$0x2] =	stream.indirect_vreg.gather [hbm4b:s12+s4], $0x80, v6, vm0, $0xb8;
	[tilespmem:$0x1A200] =	vst v63  }
0x4f: {  	s26 =	simm.s32 $0x12200  }
0x50: {  	[tilespmem:s26], [sflag:$0x2] =	stream.indirect_vreg.gather [hbm4b:s13+s4], $0x80, v6, vm0, $0xb8;
	[tilespmem:$0x1A200] =	vst v63  }
0x51: {  	s28 =	simm.s32 $0x12A00  }
0x52: {  	[tilespmem:s28], [sflag:$0x2] =	stream.indirect_vreg.gather [hbm4b:s14+s4], $0x80, v6, vm0, $0xb8;
	[tilespmem:$0x1A200] =	vst v63  }
0x53: {  	s29 =	simm.s32 $0x13200  }
0x54: {  	[tilespmem:s29], [sflag:$0x2] =	stream.indirect_vreg.gather [hbm4b:s15+s4], $0x80, v6, vm0, $0xb8;
	[tilespmem:$0x1A200] =	vst v63  }
0x55: {  	s30 =	simm.s32 $0x13A00;
	s21 =	simm.s32 $0x0  }
0x56: {  	[tilespmem:s30], [sflag:$0x2] =	stream.indirect_vreg.gather [hbm4b:s16+s4], $0x80, v6, vm0, $0xb8;
	[tilespmem:$0x1A200] =	vst v63  }
.LBB2_4:
0x57: {  	s6 =	sadd.s32 $0x2, s21;
	p0 =	sgt.u32 s21, $0x3D  }
0x58: {  	s8 =	smul.u32 @!p0 $0xAB, s6;
	p1 =	seq.s32 @!p0 s21, $0x0  }
0x59: {  	p1 =	por p1, p0  }
0x5a: {  	s8 =	sshrl.u32 @!p0 s8, $0x9;
	s9 =	simm.s32 @!p1 $0x3  }
0x5b: {  	s17 =	sshll.u32 @!p0 s21, $0x6;
	s8 =	sand.u32 @!p0 $0x7F, s8;
	_ =	swait.ge @!p1 [sflag:s9], $0x4000  }
0x5c: {  	s20 =	simm.s32 @!p0 $0x400;
	s8 =	smul.u32 @!p0 $0x3, s8;
	[sflag:s9] =	ssyncset.done @!p1 $0x0  }
0x5d: {  	s17 =	sand.u32 @!p0 $0x40, s17;
	[sflag:s9] =	ssyncadd.s32 @!p1 $0xFFFFC000;
	s9 =	sshll.u32 @!p0 s6, $0xB  }
0x5e: {  	s8 =	ssub.s32 @!p0 s6, s8;
	s9 =	sadd.s32 @!p0 s7, s9;
	s1 =	rddreg [dreg:$0x0]  }
0x5f: {  	s6 =	sshll.u32 @!p0 s6, $0x3;
	s8 =	sand.u32 @!p0 $0xFF, s8;
	s9 =	sand.u32 @!p0 $0x7FF000, s9  }
0x60: {  	s17 =	sadd.s32 @!p0 s1, s17;
	s6 =	sand.u32 @!p0 $0x3FFFFFF8, s6;
	s8 =	sshll.u32 @!p0 s8, $0xE  }
0x61: {  	s9 =	sadd.s32 @!p0 s9, s17;
	s17 =	simm.s32 @!p0 $0x200;
	s19 =	sor.u32 @!p0 $0x200, s8  }
0x62: {  	[tilespmem:s19], [sflag:$0x1] =	stream.strided.gather @!p0 [hbm4b:s9+s17], $0x4000, s20, s17, $0x38;
	[tilespmem:$0x1A200] =	vst v63  }
0x63: {  	v6 =	vld.msk @!p0 [tilespmem:s6+$0x0], $0xf;
	_ =	sdelay $0x4  }
0x64: {  	v7 =	vshll.u32 @!p0 v6, $0x5  }
0x65: {  	v8 =	vlaneseq.u32 @!p0;
	v6 =	vand.u32 @!p0 $0x7, v6;
	v7 =	vand.u32 @!p0 $0xFFFFFF00, v7  }
0x66: {  	v6 =	vor.u32 @!p0 v6, v7;
	v7 =	vand.u32 @!p0 $0x3, v8;
	v8 =	vshrl.u32 @!p0 v8, $0x2  }
0x67: {  	v6 =	vperm.xlane @!p0 v6, v7;
	v7 =	vmul.u32 @!p0 $0x8, v8;
	_ =	sdelay $0x1  }
0x68: {  	v6 =	vadd.s32 @!p0 v7, v6;
	_ =	sdelay $0x3  }
0x69: {  	vm1 =	vmmov @!p0 $0xffff;
	s9 =	simm.s32 @!p0 $0x0;
	s6 =	sadd.s32 @!p0 $0xC200, s8  }
0x6a: {  	[tilespmem:s6], [sflag:$0x2] =	stream.indirect_vreg.gather @!p0 [hbm4b:s2+s9], $0x80, v6, vm1, $0xb8;
	[tilespmem:$0x1A200] =	vst v63  }
0x6b: {  	s6 =	sadd.s32 @!p0 $0xCA00, s8  }
0x6c: {  	[tilespmem:s6], [sflag:$0x2] =	stream.indirect_vreg.gather @!p0 [hbm4b:s10+s9], $0x80, v6, vm1, $0xb8;
	[tilespmem:$0x1A200] =	vst v63  }
0x6d: {  	s6 =	sadd.s32 @!p0 $0xD200, s8  }
0x6e: {  	[tilespmem:s6], [sflag:$0x2] =	stream.indirect_vreg.gather @!p0 [hbm4b:s11+s9], $0x80, v6, vm1, $0xb8;
	[tilespmem:$0x1A200] =	vst v63  }
0x6f: {  	s6 =	sadd.s32 @!p0 $0xDA00, s8  }
0x70: {  	[tilespmem:s6], [sflag:$0x2] =	stream.indirect_vreg.gather @!p0 [hbm4b:s12+s9], $0x80, v6, vm1, $0xb8;
	[tilespmem:$0x1A200] =	vst v63  }
0x71: {  	s6 =	sadd.s32 @!p0 $0xE200, s8  }
0x72: {  	[tilespmem:s6], [sflag:$0x2] =	stream.indirect_vreg.gather @!p0 [hbm4b:s13+s9], $0x80, v6, vm1, $0xb8;
	[tilespmem:$0x1A200] =	vst v63  }
0x73: {  	s6 =	sadd.s32 @!p0 $0xEA00, s8  }
0x74: {  	[tilespmem:s6], [sflag:$0x2] =	stream.indirect_vreg.gather @!p0 [hbm4b:s14+s9], $0x80, v6, vm1, $0xb8;
	[tilespmem:$0x1A200] =	vst v63  }
0x75: {  	s26 =	smul.u32 $0xAB, s21;
	s6 =	sadd.s32 @!p0 $0xF200, s8  }
0x76: {  	[tilespmem:s6], [sflag:$0x2] =	stream.indirect_vreg.gather @!p0 [hbm4b:s15+s9], $0x80, v6, vm1, $0xb8;
	[tilespmem:$0x1A200] =	vst v63  }
0x77: {  	s28 =	sshrl.u32 s26, $0x9;
	s6 =	sadd.s32 @!p0 $0xFA00, s8  }
0x78: {  	[tilespmem:s6], [sflag:$0x2] =	stream.indirect_vreg.gather @!p0 [hbm4b:s16+s9], $0x80, v6, vm1, $0xb8;
	[tilespmem:$0x1A200] =	vst v63  }
0x79: {  	s6 =	sand.u32 $0x7F, s28  }
0x7a: {  	s6 =	smul.u32 $0x3, s6  }
0x7b: {  	_ =	swait.ge [sflag:s31], $0x4000  }
0x7c: {  	[sflag:s31] =	ssyncset.done $0x0;
	s6 =	ssub.s32 s21, s6  }
0x7d: {  	[sflag:s31] =	ssyncadd.s32 $0xFFFFC000;
	s6 =	sand.u32 $0xFF, s6  }
0x7e: {  	s29 =	sand.u32 $0x3E00, s4;
	_ =	swait.ge [sflag:s0], $0x4000;
	s22 =	sshll.u32 s6, $0xE  }
0x7f: {  	s30 =	sand.u32 $0x60, s4;
	[sflag:s0] =	ssyncset.done $0x0;
	s6 =	sor.u32 s22, s29  }
0x80: {  	[sflag:s0] =	ssyncadd.s32 $0xFFFFC000;
	s25 =	sor.u32 s30, s6  }
0x81: {  	v6 =	vld [tilespmem:s25+$0xC210]  }
0x82: {  	v9 =	vld [tilespmem:s25+$0xC290]  }
0x83: {  	v8 =	vld [tilespmem:s25+$0xC310]  }
0x84: {  	v16 =	vld [tilespmem:s25+$0xC390]  }
0x85: {  	v7 =	vld [tilespmem:s25+$0xC200]  }
0x86: {  	v10 =	vld [tilespmem:s25+$0xC280]  }
0x87: {  	v11 =	vld [tilespmem:s25+$0xC300]  }
0x88: {  	v12 =	vld [tilespmem:s25+$0xC380]  }
0x89: {  	v25 =	vld [tilespmem:s25+$0x200]  }
0x8a: {  	v24 =	vld [tilespmem:s25+$0x210]  }
0x8b: {  	v26 =	vimm.f32 $0.0e+00;
	v14 =	vimm.f32 $0.0e+00;
	v23 =	vld [tilespmem:s25+$0x280]  }
0x8c: {  	v13 =	vimm.f32 $0.0e+00;
	v20 =	vimm.f32 $0.0e+00;
	v17 =	vimm.f32 $0.0e+00;
	v22 =	vld [tilespmem:s25+$0x290]  }
0x8d: {  	v19 =	vimm.f32 $0.0e+00;
	v18 =	vimm.f32 $0.0e+00;
	v15 =	vimm.f32 $0.0e+00;
	s8 =	simm.s32 $0x80;
	s9 =	simm.s32 $0x0;
	s6 =	simm.s32 $0x0;
	v21 =	vld [tilespmem:s25+$0x300]  }
.LBB2_5:
0x8e: {  	s17 =	sand.u32 $0x3E00, s8;
	v7 =	vadd.f32 v7, v25;
	v25 =	vld [tilespmem:s25+$0x310];
	s9 =	sadd.s32 $0x20, s9  }
0x8f: {  	s19 =	sand.u32 $0x60, s9;
	s17 =	sor.u32 s22, s17;
	v27 =	vld [tilespmem:s25+$0x380];
	v28 =	vadd.f32 v6, v24  }
0x90: {  	s17 =	sor.u32 s19, s17;
	[tilespmem:s25+$0x200] =	vst v7;
	v26 =	vadd.f32 v7, v26;
	v7 =	vmul.f32 v7, v7;
	v10 =	vadd.f32 v10, v23;
	v23 =	vld [tilespmem:s25+$0x390]  }
0x91: {  	v6 =	vld [tilespmem:s17+$0xC210];
	[tilespmem:s25+$0x210] =	vst v28;
	v29 =	vmul.f32 v28, v28;
	v22 =	vadd.f32 v9, v22  }
0x92: {  	v9 =	vld [tilespmem:s17+$0xC290];
	[tilespmem:s25+$0x280] =	vst v10;
	v14 =	vadd.f32 v10, v14;
	v10 =	vmul.f32 v10, v10;
	v11 =	vadd.f32 v11, v21  }
0x93: {  	v13 =	vadd.f32 v7, v13;
	[tilespmem:s25+$0x290] =	vst v22;
	v21 =	vmul.f32 v22, v22;
	v24 =	vadd.f32 v8, v25;
	v8 =	vld [tilespmem:s17+$0xC310]  }
0x94: {  	v30 =	vld [tilespmem:s17+$0xC390];
	[tilespmem:s25+$0x300] =	vst v11;
	v20 =	vadd.f32 v11, v20;
	v11 =	vmul.f32 v11, v11;
	v12 =	vadd.f32 v12, v27  }
0x95: {  	v17 =	vadd.f32 v10, v17;
	v7 =	vld [tilespmem:s17+$0xC200];
	[tilespmem:s25+$0x310] =	vst v24;
	v27 =	vmul.f32 v24, v24;
	v16 =	vadd.f32 v16, v23  }
0x96: {  	v10 =	vld [tilespmem:s17+$0xC280];
	v19 =	vadd.f32 v11, v19;
	[tilespmem:s25+$0x380] =	vst v12;
	v18 =	vadd.f32 v12, v18;
	v23 =	vmul.f32 v12, v12  }
0x97: {  	s6 =	sadd.s32 $0x2, s6;
	v17 =	vadd.f32 v21, v17;
	v20 =	vadd.f32 v24, v20;
	v11 =	vld [tilespmem:s17+$0xC300];
	[tilespmem:s25+$0x390] =	vst v16;
	v21 =	vmul.f32 v16, v16;
	s25 =	smov.u32 s17  }
0x98: {  	p0 =	slt.u32 s6, $0xFE;
	v12 =	vld [tilespmem:s25+$0xC380];
	v15 =	vadd.f32 v23, v15;
	v18 =	vadd.f32 v16, v18  }
.Ltmp1:
0x99: {  	v14 =	vadd.f32 v22, v14;
	v19 =	vadd.f32 v27, v19;
	v25 =	vld [tilespmem:s25+$0x200];
	v16 =	vmov v30;
	(pc) =	sbr.rel @p0 .LBB2_5-.Ltmp1, $4  }
0x9a: {  	v13 =	vadd.f32 v29, v13;
	v24 =	vld [tilespmem:s25+$0x210];
	v15 =	vadd.f32 v21, v15  }
0x9b: {  	v26 =	vadd.f32 v28, v26;
	v23 =	vld [tilespmem:s25+$0x280]  }
0x9c: {  	v22 =	vld [tilespmem:s25+$0x290]  }
0x9d: {  	s8 =	sadd.s32 $0x80, s8;
	v21 =	vld [tilespmem:s25+$0x300]  }
0x9e: {  	v7 =	vadd.f32 v7, v25;
	_ =	sdelay $0x1  }
0x9f: {  	v6 =	vadd.f32 v6, v24;
	v24 =	vadd.f32 v7, v26;
	v25 =	vmul.f32 v7, v7;
	_ =	sdelay $0x1  }
0xa0: {  	v26 =	vmul.f32 v6, v6;
	v13 =	vadd.f32 v25, v13;
	v24 =	vadd.f32 v6, v24;
	_ =	sdelay $0x1  }
0xa1: {  	v10 =	vadd.f32 v10, v23;
	v23 =	vld [tilespmem:s25+$0x380];
	v13 =	vadd.f32 v26, v13;
	v25 =	vperm.xlane v24, v2;
	_ =	sdelay $0x1  }
0xa2: {  	v24 =	vadd.f32 v25, v24;
	v25 =	vperm.xlane v13, v2  }
0xa3: {  	v11 =	vadd.f32 v11, v21;
	v26 =	vld [tilespmem:s25+$0x310]  }
0xa4: {  	v28 =	vld [tilespmem:s25+$0x390];
	v27 =	vperm.xlane v24, v3;
	v25 =	vadd.f32 v25, v13  }
0xa5: {  	v20 =	vadd.f32 v11, v20;
	v12 =	vadd.f32 v12, v23  }
0xa6: {  	v13 =	vadd.f32 v9, v22;
	v21 =	vadd.f32 v27, v24;
	v22 =	vperm.xlane v25, v3  }
0xa7: {  	v18 =	vadd.f32 v12, v18;
	v23 =	vmul.f32 v12, v12;
	v9 =	vadd.f32 v10, v14  }
0xa8: {  	v14 =	vadd.f32 v8, v26;
	v26 =	vperm.xlane v21, v4;
	v22 =	vadd.f32 v22, v25  }
0xa9: {  	v8 =	vadd.f32 v16, v28;
	v15 =	vadd.f32 v23, v15  }
0xaa: {  	v24 =	vmul.f32 v10, v10;
	v16 =	vadd.f32 v26, v21;
	v21 =	vperm.xlane v22, v4  }
0xab: {  	v27 =	vmul.f32 v13, v13;
	v23 =	vadd.f32 v13, v9;
	v25 =	vmul.f32 v11, v11  }
0xac: {  	v17 =	vadd.f32 v24, v17;
	v24 =	vperm.xlane v16, v5;
	v21 =	vadd.f32 v21, v22  }
0xad: {  	v20 =	vadd.f32 v14, v20;
	v19 =	vadd.f32 v25, v19;
	v22 =	vmul.f32 v14, v14  }
0xae: {  	v18 =	vadd.f32 v8, v18;
	v9 =	vadd.f32 v24, v16;
	v16 =	vperm.xlane v21, v5  }
0xaf: {  	v17 =	vadd.f32 v27, v17;
	v24 =	vmul.f32 v8, v8;
	v19 =	vadd.f32 v22, v19  }
0xb0: {  	v9 =	vmul.f32 $2.441406250e-04, v9;
	v16 =	vadd.f32 v16, v21;
	v21 =	vperm.xlane v23, v2  }
0xb1: {  	v22 =	vperm.xlane v17, v2;
	v15 =	vadd.f32 v24, v15;
	v24 =	vperm.xlane v18, v2  }
0xb2: {  	v16 =	vmul.f32 $2.441406250e-04, v16;
	v25 =	vmul.f32 v9, v9;
	v21 =	vadd.f32 v21, v23  }
0xb3: {  	v17 =	vadd.f32 v22, v17;
	v18 =	vadd.f32 v24, v18;
	v22 =	vperm.xlane v15, v2  }
0xb4: {  	v24 =	vperm.xlane v20, v2;
	v16 =	vsub.f32 v16, v25;
	v23 =	vperm.xlane v21, v3  }
0xb5: {  	v25 =	vperm.xlane v17, v3;
	v26 =	vperm.xlane v18, v3;
	v15 =	vadd.f32 v22, v15  }
0xb6: {  	v20 =	vadd.f32 v24, v20;
	v22 =	vperm.xlane v19, v2;
	v21 =	vadd.f32 v23, v21  }
0xb7: {  	v17 =	vadd.f32 v25, v17;
	v18 =	vadd.f32 v26, v18;
	v23 =	vperm.xlane v15, v3  }
0xb8: {  	v25 =	vperm.xlane v20, v3;
	v19 =	vadd.f32 v22, v19;
	v24 =	vperm.xlane v21, v4  }
0xb9: {  	v22 =	vperm.xlane v17, v4;
	v26 =	vperm.xlane v18, v4;
	v15 =	vadd.f32 v23, v15  }
0xba: {  	v20 =	vadd.f32 v25, v20;
	v23 =	vperm.xlane v19, v3;
	v21 =	vadd.f32 v24, v21  }
0xbb: {  	v17 =	vadd.f32 v22, v17;
	v18 =	vadd.f32 v26, v18;
	v22 =	vperm.xlane v15, v4  }
0xbc: {  	v25 =	vperm.xlane v20, v4;
	v19 =	vadd.f32 v23, v19;
	v24 =	vperm.xlane v21, v5  }
0xbd: {  	v23 =	vperm.xlane v17, v5;
	v26 =	vperm.xlane v18, v5;
	v15 =	vadd.f32 v22, v15  }
0xbe: {  	v20 =	vadd.f32 v25, v20;
	v22 =	vperm.xlane v19, v4;
	v21 =	vadd.f32 v24, v21  }
0xbf: {  	v17 =	vadd.f32 v23, v17;
	v18 =	vadd.f32 v26, v18;
	v23 =	vperm.xlane v15, v5  }
0xc0: {  	v24 =	vperm.xlane v20, v5;
	v19 =	vadd.f32 v22, v19;
	v21 =	vmul.f32 $2.441406250e-04, v21  }
0xc1: {  	v17 =	vmul.f32 $2.441406250e-04, v17;
	v18 =	vmul.f32 $2.441406250e-04, v18;
	v15 =	vadd.f32 v23, v15  }
0xc2: {  	v20 =	vadd.f32 v24, v20;
	v23 =	vperm.xlane v19, v5;
	v22 =	vmul.f32 v21, v21  }
0xc3: {  	v15 =	vmul.f32 $2.441406250e-04, v15;
	v24 =	vmul.f32 v18, v18  }
0xc4: {  	v16 =	vadd.f32 $9.999999740e-06, v16;
	v20 =	vmul.f32 $2.441406250e-04, v20;
	v19 =	vadd.f32 v23, v19  }
0xc5: {  	v17 =	vsub.f32 v17, v22;
	v15 =	vsub.f32 v15, v24  }
0xc6: {  	v19 =	vmul.f32 $2.441406250e-04, v19;
	v22 =	vmul.f32 v20, v20  }
0xc7: {  	v23 =	vshra.s32 v16, $0x1;
	v17 =	vadd.f32 $9.999999740e-06, v17;
	v15 =	vadd.f32 $9.999999740e-06, v15  }
0xc8: {  	v16 =	vmul.f32 $5.000000000e-01, v16;
	v23 =	vsub.s32 $0x5F3759DF, v23;
	v19 =	vsub.f32 v19, v22  }
0xc9: {  	v22 =	vshra.s32 v17, $0x1;
	v24 =	vshra.s32 v15, $0x1;
	v15 =	vmul.f32 $5.000000000e-01, v15  }
0xca: {  	v17 =	vmul.f32 $5.000000000e-01, v17;
	v19 =	vadd.f32 $9.999999740e-06, v19;
	v24 =	vsub.s32 $0x5F3759DF, v24  }
0xcb: {  	v25 =	vmul.f32 v23, v16;
	v22 =	vsub.s32 $0x5F3759DF, v22;
	v26 =	vmul.f32 v24, v15  }
0xcc: {  	v27 =	vmul.f32 v22, v17;
	v28 =	vshra.s32 v19, $0x1;
	v19 =	vmul.f32 $5.000000000e-01, v19  }
0xcd: {  	v25 =	vmul.f32 v23, v25;
	v28 =	vsub.s32 $0x5F3759DF, v28;
	v26 =	vmul.f32 v24, v26  }
0xce: {  	v27 =	vmul.f32 v22, v27;
	v29 =	vmul.f32 v28, v19  }
0xcf: {  	v25 =	vsub.f32 $1.500000000e+00, v25;
	v26 =	vsub.f32 $1.500000000e+00, v26  }
0xd0: {  	v27 =	vsub.f32 $1.500000000e+00, v27;
	v29 =	vmul.f32 v28, v29  }
0xd1: {  	v23 =	vmul.f32 v23, v25;
	v24 =	vmul.f32 v24, v26  }
0xd2: {  	v22 =	vmul.f32 v22, v27;
	v25 =	vsub.f32 $1.500000000e+00, v29  }
0xd3: {  	v26 =	vmul.f32 v23, v16;
	v27 =	vmul.f32 v24, v15  }
0xd4: {  	v29 =	vmul.f32 v22, v17;
	v25 =	vmul.f32 v28, v25  }
0xd5: {  	v26 =	vmul.f32 v26, v23;
	v27 =	vmul.f32 v27, v24  }
0xd6: {  	[tilespmem:s25+$0x200] =	vst v7;
	v7 =	vmul.f32 v29, v22;
	v28 =	vmul.f32 v25, v19  }
0xd7: {  	[tilespmem:s25+$0x210] =	vst v6;
	v6 =	vsub.f32 $1.500000000e+00, v26;
	v26 =	vsub.f32 $1.500000000e+00, v27  }
0xd8: {  	[tilespmem:s25+$0x280] =	vst v10;
	v7 =	vsub.f32 $1.500000000e+00, v7;
	v10 =	vmul.f32 v28, v25  }
0xd9: {  	[tilespmem:s25+$0x290] =	vst v13;
	v6 =	vmul.f32 v6, v23;
	v13 =	vmul.f32 v26, v24  }
0xda: {  	s6 =	simm.s32 $0x0;
	[tilespmem:s25+$0x300] =	vst v11;
	v7 =	vmul.f32 v7, v22;
	v10 =	vsub.f32 $1.500000000e+00, v10  }
0xdb: {  	s22 =	sor.u32 $0x200, s22;
	s9 =	simm.s32 $0x20;
	s6 =	sand.u32 $0x3E00, s6;
	[tilespmem:s25+$0x310] =	vst v14;
	v11 =	vmul.f32 v6, v16;
	v14 =	vmul.f32 v13, v15  }
0xdc: {  	s1 =	sand.u32 $0x60, s9;
	s8 =	sadd.s32 s6, s22;
	[tilespmem:s25+$0x380] =	vst v12;
	v12 =	vmul.f32 v7, v17;
	v10 =	vmul.f32 v10, v25  }
0xdd: {  	s6 =	sadd.s32 s1, s8;
	[tilespmem:s25+$0x390] =	vst v8;
	v8 =	vmul.f32 v11, v6;
	v11 =	vmul.f32 v14, v13  }
0xde: {  	v15 =	vld [tilespmem:s6+$0x180];
	v12 =	vmul.f32 v12, v7;
	v14 =	vmul.f32 v10, v19  }
0xdf: {  	s3 =	simm.s32 $0x0;
	v8 =	vsub.f32 $1.500000000e+00, v8;
	v11 =	vsub.f32 $1.500000000e+00, v11  }
0xe0: {  	v16 =	vld [tilespmem:s3+$0x18220];
	v12 =	vsub.f32 $1.500000000e+00, v12;
	v14 =	vmul.f32 v14, v10  }
0xe1: {  	v17 =	vld [tilespmem:s6+$0x0];
	v8 =	vmul.f32 v8, v6;
	v6 =	vmul.f32 v11, v13;
	v11 =	vsub.f32 $0.0e+00, v18  }
0xe2: {  	v18 =	vld [tilespmem:s6+$0x80];
	v13 =	vsub.f32 $0.0e+00, v9;
	v9 =	vmul.f32 v12, v7;
	v12 =	vsub.f32 $1.500000000e+00, v14  }
0xe3: {  	v19 =	vsub.f32 $0.0e+00, v21;
	v14 =	vld [tilespmem:s6+$0x100];
	v7 =	vmul.f32 v6, v11;
	v15 =	vmul.f32 v15, v6  }
0xe4: {  	v11 =	vmul.f32 v8, v13;
	v13 =	vmul.f32 v12, v10;
	v10 =	vsub.f32 $0.0e+00, v20;
	v20 =	vld [tilespmem:s3+$0x19220]  }
0xe5: {  	v15 =	vadd.f32 v15, v7  }
0xe6: {  	v17 =	vmul.f32 v17, v8;
	v12 =	vmul.f32 v9, v19  }
0xe7: {  	s17 =	simm.s32 $0x0;
	v18 =	vmul.f32 v18, v9;
	v15 =	vmul.f32 v15, v16  }
0xe8: {  	s28 =	simm.s32 $0x40;
	s25 =	sand.u32 $0x40, s17;
	v10 =	vmul.f32 v13, v10;
	v17 =	vadd.f32 v17, v11;
	v14 =	vmul.f32 v14, v13  }
0xe9: {  	s20 =	sadd.s32 s25, s8;
	v27 =	vld [tilespmem:s28+$0x18220];
	v18 =	vadd.f32 v18, v12;
	v15 =	vadd.f32 v15, v20  }
0xea: {  	s5 =	sor.u32 $0x30, s25;
	v22 =	vld [tilespmem:s20+$0x0];
	v17 =	vmul.f32 v17, v16;
	v14 =	vadd.f32 v14, v10  }
0xeb: {  	s19 =	sadd.s32 s5, s8;
	v21 =	vld [tilespmem:s3+$0x19200];
	v18 =	vmul.f32 v18, v16;
	[tilespmem:s6+$0x180] =	vst v15  }
0xec: {  	v17 =	vadd.f32 v17, v20;
	v14 =	vmul.f32 v14, v16;
	v16 =	vld [tilespmem:s19+$0x180]  }
0xed: {  	v15 =	vadd.f32 v18, v20;
	v18 =	vld [tilespmem:s20+$0x80]  }
0xee: {  	[tilespmem:s6+$0x0] =	vst v17;
	v14 =	vadd.f32 v14, v20;
	v17 =	vld [tilespmem:s20+$0x100]  }
0xef: {  	s17 =	sand.u32 $0xF80, s17;
	[tilespmem:s6+$0x80] =	vst v15;
	v15 =	vld [tilespmem:s20+$0x180]  }
0xf0: {  	s9 =	sor.u32 s17, s5;
	v19 =	vld [tilespmem:s3+$0x18200];
	[tilespmem:s6+$0x100] =	vst v14  }
0xf1: {  	v14 =	vmul.f32 v22, v8;
	v20 =	vld [tilespmem:s9+$0x18200]  }
0xf2: {  	s26 =	simm.s32 $0x100;
	v22 =	vld [tilespmem:s19+$0x0];
	v18 =	vmul.f32 v18, v9  }
0xf3: {  	s1 =	sand.u32 $0x3E00, s26;
	s26 =	simm.s32 $0x60;
	v24 =	vld [tilespmem:s9+$0x19200];
	v14 =	vadd.f32 v14, v11;
	v17 =	vmul.f32 v17, v13  }
0xf4: {  	s3 =	sand.u32 $0x60, s26;
	v23 =	vld [tilespmem:s19+$0x80];
	s9 =	sadd.s32 s1, s22;
	v18 =	vadd.f32 v18, v12;
	v15 =	vmul.f32 v15, v6  }
0xf5: {  	v25 =	vld [tilespmem:s19+$0x100];
	s6 =	sadd.s32 s3, s9;
	v14 =	vmul.f32 v14, v19;
	v17 =	vadd.f32 v17, v10  }
0xf6: {  	v26 =	vld [tilespmem:s6+$0x180];
	v18 =	vmul.f32 v18, v19;
	v15 =	vadd.f32 v15, v7  }
0xf7: {  	v16 =	vmul.f32 v16, v6;
	v28 =	vld [tilespmem:s6+$0x0];
	v14 =	vadd.f32 v14, v21;
	v17 =	vmul.f32 v17, v19  }
0xf8: {  	v29 =	vld [tilespmem:s6+$0x100];
	v22 =	vmul.f32 v22, v8;
	v18 =	vadd.f32 v18, v21;
	v15 =	vmul.f32 v15, v19  }
0xf9: {  	v16 =	vadd.f32 v16, v7;
	[tilespmem:s20+$0x0] =	vst v14;
	v19 =	vld [tilespmem:s6+$0x80];
	v17 =	vadd.f32 v17, v21  }
0xfa: {  	v14 =	vld [tilespmem:s28+$0x18200];
	v22 =	vadd.f32 v22, v11;
	[tilespmem:s20+$0x80] =	vst v18;
	v15 =	vadd.f32 v15, v21  }
0xfb: {  	s29 =	sor.u32 $0x10, s25;
	v16 =	vmul.f32 v16, v20;
	v18 =	vmul.f32 v26, v6;
	[tilespmem:s20+$0x100] =	vst v17;
	v17 =	vld [tilespmem:s28+$0x19220]  }
0xfc: {  	s25 =	sadd.s32 s29, s8;
	v22 =	vmul.f32 v22, v20;
	v21 =	vmul.f32 v23, v9;
	[tilespmem:s20+$0x180] =	vst v15;
	v15 =	vld [tilespmem:s28+$0x19200]  }
0xfd: {  	v23 =	vmul.f32 v25, v13;
	v25 =	vmul.f32 v28, v8;
	v18 =	vadd.f32 v18, v7;
	v26 =	vld [tilespmem:s25+$0x0]  }
0xfe: {  	v28 =	vmul.f32 v29, v13;
	v21 =	vadd.f32 v21, v12;
	v19 =	vmul.f32 v19, v9;
	v29 =	vld [tilespmem:s25+$0x80]  }
0xff: {  	s5 =	simm.s32 $0x40;
	v25 =	vadd.f32 v25, v11;
	v23 =	vadd.f32 v23, v10;
	v30 =	vld [tilespmem:s25+$0x100];
	v18 =	vmul.f32 v18, v27  }
0x100: {  	s29 =	sor.u32 s17, s29;
	s30 =	sand.u32 $0x40, s5;
	v28 =	vadd.f32 v28, v10;
	v31 =	vld [tilespmem:s25+$0x180];
	v21 =	vmul.f32 v21, v20;
	v19 =	vadd.f32 v19, v12  }
0x101: {  	s8 =	sadd.s32 s30, s9;
	v32 =	vld [tilespmem:s29+$0x18200];
	v25 =	vmul.f32 v25, v27;
	v20 =	vmul.f32 v23, v20;
	v18 =	vadd.f32 v18, v17  }
0x102: {  	s1 =	sor.u32 $0x30, s30;
	v16 =	vadd.f32 v16, v24;
	v23 =	vmul.f32 v28, v27;
	v28 =	vld [tilespmem:s8+$0x80];
	v19 =	vmul.f32 v19, v27  }
0x103: {  	s28 =	sadd.s32 s1, s9;
	v27 =	vld [tilespmem:s8+$0x0];
	[tilespmem:s6+$0x180] =	vst v18;
	v18 =	vadd.f32 v25, v17;
	v25 =	vmul.f32 v26, v8  }
0x104: {  	[tilespmem:s19+$0x180] =	vst v16;
	v16 =	vadd.f32 v22, v24;
	v22 =	vmul.f32 v29, v9;
	v19 =	vadd.f32 v19, v17;
	v26 =	vld [tilespmem:s28+$0x180]  }
0x105: {  	v17 =	vadd.f32 v23, v17;
	[tilespmem:s6+$0x0] =	vst v18;
	v18 =	vadd.f32 v25, v11;
	v25 =	vmul.f32 v30, v13  }
0x106: {  	s20 =	sand.u32 $0xF80, s5;
	v21 =	vadd.f32 v21, v24;
	v23 =	vld [tilespmem:s8+$0x100];
	[tilespmem:s6+$0x80] =	vst v19;
	v19 =	vadd.f32 v22, v12;
	v22 =	vmul.f32 v31, v6  }
0x107: {  	s3 =	sor.u32 s20, s1;
	v29 =	vadd.f32 v20, v24;
	v24 =	vld [tilespmem:s8+$0x180];
	[tilespmem:s6+$0x100] =	vst v17;
	v18 =	vmul.f32 v18, v32;
	v20 =	vadd.f32 v25, v10  }
0x108: {  	[tilespmem:s19+$0x0] =	vst v16;
	v16 =	vmul.f32 v27, v8;
	v17 =	vld [tilespmem:s3+$0x18200];
	v27 =	vmul.f32 v28, v9;
	v63 =	vadd.f32 v22, v7  }
0x109: {  	s17 =	simm.s32 $0x4;
	s5 =	sor.u32 $0x10, s30;
	[tilespmem:s19+$0x80] =	vst v21;
	v19 =	vmul.f32 v19, v32;
	v22 =	vld [tilespmem:s28+$0x0];
	v25 =	vmul.f32 v26, v6  }
0x10a: {  	s30 =	sadd.s32 s5, s9;
	s20 =	sor.u32 s20, s5;
	[tilespmem:s19+$0x100] =	vst v29;
	s19 =	simm.s32 $0x200;
	v20 =	vmul.f32 v20, v32;
	v26 =	vadd.f32 v16, v11;
	v16 =	vld [tilespmem:s3+$0x19200];
	v21 =	vmul.f32 v63, v32  }
.LBB2_7:
0x10b: {  	s5 =	sand.u32 $0x3E00, s19;
	s17 =	sadd.s32 $0x4, s17;
	v23 =	vmul.f32 v23, v13;
	v28 =	vld [tilespmem:s28+$0x80];
	v25 =	vadd.f32 v25, v7;
	s26 =	sadd.s32 $0x40, s26  }
0x10c: {  	s6 =	sadd.s32 s5, s22;
	s5 =	sand.u32 $0x60, s26;
	p0 =	slt.u32 s17, $0xFC;
	v26 =	vmul.f32 v26, v14;
	v27 =	vadd.f32 v27, v12;
	v24 =	vmul.f32 v24, v6;
	v29 =	vld [tilespmem:s28+$0x100]  }
0x10d: {  	s9 =	sadd.s32 s5, s6;
	v23 =	vadd.f32 v23, v10;
	v25 =	vmul.f32 v25, v17;
	v30 =	vld [tilespmem:s29+$0x19200];
	s29 =	smov.u32 s20  }
0x10e: {  	s5 =	sshra.s32 s19, $0x2;
	v31 =	vld [tilespmem:s9+$0x180];
	v26 =	vadd.f32 v26, v15;
	v27 =	vmul.f32 v27, v14;
	v24 =	vadd.f32 v24, v7  }
0x10f: {  	v22 =	vmul.f32 v22, v8;
	v32 =	vld [tilespmem:s5+$0x18220];
	v23 =	vmul.f32 v23, v14;
	v25 =	vadd.f32 v25, v16  }
0x110: {  	v33 =	vld [tilespmem:s9+$0x0];
	[tilespmem:s8+$0x0] =	vst v26;
	v26 =	vadd.f32 v27, v15;
	v14 =	vmul.f32 v24, v14;
	v24 =	vmul.f32 v28, v9  }
0x111: {  	v22 =	vadd.f32 v22, v11;
	v27 =	vld [tilespmem:s9+$0x80];
	v23 =	vadd.f32 v23, v15;
	v28 =	vmul.f32 v29, v13;
	[tilespmem:s28+$0x180] =	vst v25  }
0x112: {  	v25 =	vld [tilespmem:s9+$0x100];
	[tilespmem:s8+$0x80] =	vst v26;
	v15 =	vadd.f32 v14, v15;
	v24 =	vadd.f32 v24, v12  }
0x113: {  	v22 =	vmul.f32 v22, v17;
	v14 =	vld [tilespmem:s5+$0x18200];
	v26 =	vmul.f32 v31, v6;
	[tilespmem:s8+$0x100] =	vst v23;
	v23 =	vadd.f32 v28, v10  }
0x114: {  	v18 =	vadd.f32 v18, v30;
	v19 =	vadd.f32 v19, v30;
	v28 =	vld [tilespmem:s5+$0x19220];
	[tilespmem:s8+$0x180] =	vst v15;
	v24 =	vmul.f32 v24, v17  }
0x115: {  	v15 =	vld [tilespmem:s5+$0x19200];
	v29 =	vmul.f32 v33, v8;
	v26 =	vadd.f32 v26, v7;
	v17 =	vmul.f32 v23, v17  }
0x116: {  	v23 =	vmul.f32 v27, v9;
	v27 =	vld [tilespmem:s30+$0x0];
	[tilespmem:s25+$0x0] =	vst v18;
	v18 =	vadd.f32 v20, v30;
	v20 =	vadd.f32 v21, v30  }
0x117: {  	v21 =	vadd.f32 v29, v11;
	v25 =	vmul.f32 v25, v13;
	v26 =	vmul.f32 v26, v32;
	v29 =	vld [tilespmem:s30+$0x80];
	[tilespmem:s25+$0x80] =	vst v19  }
0x118: {  	v22 =	vadd.f32 v22, v16;
	s5 =	sadd.s32 $0xFFFFFFE0, s26;
	v19 =	vadd.f32 v23, v12;
	v23 =	vld [tilespmem:s30+$0x100];
	[tilespmem:s25+$0x100] =	vst v18  }
0x119: {  	s20 =	sand.u32 $0x40, s5;
	v18 =	vmul.f32 v21, v32;
	v21 =	vadd.f32 v25, v10;
	v25 =	vadd.f32 v26, v28;
	v26 =	vld [tilespmem:s30+$0x180];
	[tilespmem:s25+$0x180] =	vst v20;
	s25 =	smov.u32 s30  }
0x11a: {  	s8 =	sadd.s32 s20, s6;
	s3 =	sor.u32 $0x10, s20;
	s1 =	sor.u32 $0x30, s20;
	v20 =	vadd.f32 v24, v16;
	v16 =	vadd.f32 v17, v16;
	v19 =	vmul.f32 v19, v32;
	v30 =	vld [tilespmem:s29+$0x18200];
	[tilespmem:s28+$0x0] =	vst v22  }
0x11b: {  	s30 =	sadd.s32 s3, s6;
	s6 =	sadd.s32 s1, s6;
	v17 =	vld [tilespmem:s8+$0x0];
	v18 =	vadd.f32 v18, v28;
	v21 =	vmul.f32 v21, v32;
	[tilespmem:s9+$0x180] =	vst v25;
	v22 =	vmul.f32 v27, v8  }
0x11c: {  	v19 =	vadd.f32 v19, v28;
	v25 =	vld [tilespmem:s6+$0x180];
	v24 =	vmul.f32 v29, v9;
	[tilespmem:s28+$0x80] =	vst v20  }
0x11d: {  	v27 =	vld [tilespmem:s8+$0x80];
	[tilespmem:s9+$0x0] =	vst v18;
	v18 =	vadd.f32 v21, v28;
	v20 =	vadd.f32 v22, v11;
	v21 =	vmul.f32 v23, v13  }
.Ltmp2:
0x11e: {  	s5 =	sand.u32 $0xF80, s5;
	v23 =	vld [tilespmem:s8+$0x100];
	[tilespmem:s9+$0x80] =	vst v19;
	v19 =	vadd.f32 v24, v12;
	v22 =	vmul.f32 v26, v6;
	(pc) =	sbr.rel @p0 .LBB2_7-.Ltmp2, $4  }
0x11f: {  	s20 =	sor.u32 s5, s3;
	s1 =	sor.u32 s5, s1;
	v24 =	vld [tilespmem:s8+$0x180];
	[tilespmem:s9+$0x100] =	vst v18;
	v18 =	vmul.f32 v20, v30;
	v20 =	vadd.f32 v21, v10  }
0x120: {  	v21 =	vmul.f32 v17, v8;
	v17 =	vld [tilespmem:s1+$0x18200];
	v19 =	vmul.f32 v19, v30;
	v28 =	vadd.f32 v22, v7;
	[tilespmem:s28+$0x100] =	vst v16;
	s28 =	smov.u32 s6  }
0x121: {  	v22 =	vld [tilespmem:s28+$0x0];
	v25 =	vmul.f32 v25, v6;
	v20 =	vmul.f32 v20, v30  }
0x122: {  	s19 =	sadd.s32 $0x100, s19;
	v26 =	vadd.f32 v21, v11;
	v27 =	vmul.f32 v27, v9;
	v16 =	vld [tilespmem:s1+$0x19200];
	v21 =	vmul.f32 v28, v30  }
0x123: {  	v23 =	vmul.f32 v23, v13  }
0x124: {  	v27 =	vadd.f32 v27, v12;
	v24 =	vmul.f32 v24, v6  }
0x125: {  	v26 =	vmul.f32 v26, v14;
	v23 =	vadd.f32 v23, v10  }
0x126: {  	v27 =	vmul.f32 v27, v14;
	v24 =	vadd.f32 v24, v7  }
0x127: {  	v26 =	vadd.f32 v26, v15;
	v23 =	vmul.f32 v23, v14  }
0x128: {  	v46 =	vld [tilespmem:s28+$0x80];
	v27 =	vadd.f32 v27, v15;
	v45 =	vmul.f32 v24, v14  }
0x129: {  	v47 =	vld [tilespmem:s28+$0x100];
	[tilespmem:s8+$0x0] =	vst v26;
	v23 =	vadd.f32 v23, v15  }
0x12a: {  	v49 =	vld [tilespmem:s29+$0x19200];
	[tilespmem:s8+$0x80] =	vst v27;
	v14 =	vadd.f32 v45, v15  }
0x12b: {  	[tilespmem:s8+$0x100] =	vst v23  }
0x12c: {  	[tilespmem:s8+$0x180] =	vst v14  }
0x12d: {  	v51 =	vld [tilespmem:s30+$0x0]  }
0x12e: {  	v48 =	vadd.f32 v25, v7;
	v24 =	vmul.f32 v46, v9;
	v52 =	vld [tilespmem:s30+$0x80]  }
0x12f: {  	v26 =	vmul.f32 v47, v13;
	v18 =	vadd.f32 v18, v49;
	v19 =	vadd.f32 v19, v49;
	v27 =	vld [tilespmem:s30+$0x100]  }
0x130: {  	v50 =	vmul.f32 v22, v8;
	v56 =	vadd.f32 v20, v49;
	v24 =	vadd.f32 v24, v12;
	v28 =	vld [tilespmem:s30+$0x180]  }
0x131: {  	v21 =	vadd.f32 v21, v49;
	v15 =	vmul.f32 v48, v17;
	v26 =	vadd.f32 v26, v10;
	v29 =	vld [tilespmem:s20+$0x18200]  }
0x132: {  	[tilespmem:s25+$0x0] =	vst v18;
	v14 =	vadd.f32 v50, v11;
	v53 =	vmul.f32 v24, v17;
	v54 =	vmul.f32 v51, v8  }
0x133: {  	[tilespmem:s25+$0x80] =	vst v19;
	v15 =	vadd.f32 v15, v16;
	v55 =	vmul.f32 v26, v17;
	v58 =	vld [tilespmem:s20+$0x19200];
	v57 =	vmul.f32 v52, v9  }
0x134: {  	[tilespmem:s25+$0x100] =	vst v56;
	v14 =	vmul.f32 v14, v17;
	v59 =	vmul.f32 v27, v13;
	v8 =	vadd.f32 v54, v11  }
0x135: {  	[tilespmem:s25+$0x180] =	vst v21;
	v61 =	vadd.f32 v53, v16;
	v6 =	vmul.f32 v28, v6;
	v9 =	vadd.f32 v57, v12  }
0x136: {  	[tilespmem:s28+$0x180] =	vst v15;
	v63 =	vadd.f32 v55, v16;
	v62 =	vadd.f32 v59, v10;
	v8 =	vmul.f32 v8, v29  }
0x137: {  	v60 =	vadd.f32 v14, v16;
	[tilespmem:s28+$0x80] =	vst v61;
	v6 =	vadd.f32 v6, v7;
	v9 =	vmul.f32 v9, v29  }
0x138: {  	s1 =	sshll.u32 s21, $0xB;
	s3 =	sshll.u32 s21, $0x6;
	s21 =	sadd.s32 $0x1, s21;
	[tilespmem:s28+$0x100] =	vst v63;
	v7 =	vmul.f32 v62, v29;
	v8 =	vadd.f32 v8, v58  }
0x139: {  	p0 =	sne.s32 s21, $0x40;
	[tilespmem:s28+$0x0] =	vst v60;
	v6 =	vmul.f32 v6, v29;
	v9 =	vadd.f32 v9, v58  }
.Ltmp3:
0x13a: {  	v7 =	vadd.f32 v7, v58;
	[tilespmem:s30+$0x0] =	vst v8;
	(pc) =	sbr.rel @p0 .LBB2_4-.Ltmp3, $4  }
0x13b: {  	s1 =	sand.u32 $0x1F000, s1;
	s3 =	sand.u32 $0x40, s3;
	v6 =	vadd.f32 v6, v58;
	[tilespmem:s30+$0x80] =	vst v9  }
0x13c: {  	s1 =	sor.u32 s3, s1;
	[tilespmem:s30+$0x100] =	vst v7  }
0x13d: {  	s1 =	sadd.s32 s1, s18;
	[tilespmem:s30+$0x180] =	vst v6  }
0x13e: {  	[hbm4b:s1+s24] =	stream.strided.scatter [tilespmem:s22], [sflag:$0x3], $0x4000, s23, s24, $0x38;
	[tilespmem:$0x1A200] =	vst v63  }
0x13f: {  	s3 =	simm.s32 $0x3  }
0x140: {  	_ =	swait.ge [sflag:s3], $0x4000  }
0x141: {  	[sflag:s3] =	ssyncset.done $0x0  }
0x142: {  	[sflag:s3] =	ssyncadd.s32 $0xFFFFC000  }
0x143: {  	_ =	swait.ge [sflag:s3], $0x4000  }
0x144: {  	[sflag:s3] =	ssyncset.done $0x0  }
0x145: {  	[sflag:s3] =	ssyncadd.s32 $0xFFFFC000  }
0x146: {  	_ =	swait.ge [sflag:s3], $0x4000  }
0x147: {  	s4 =	rddreg [dreg:$0xb]  }
0x148: {  	s1 =	rddreg [dreg:$0xa];
	s4 =	sadd.s32 $0x1, s4  }
0x149: {  	p0 =	sne.s32 s4, s1  }
.Ltmp4:
0x14a: {  	_ = 	snop;
	(pc) =	sbr.rel @p0 .LBB2_1-.Ltmp4, $3  }
0x14b: {  	_ =	sdelay $0x1  }
0x14c: {  	[sflag:s3] =	ssyncset.done $0x0  }
0x14d: {  	[sflag:s3] =	ssyncadd.s32 $0xFFFFC000  }
0x14e: {  	_ =	sfence.sel $0x180000  }
0x14f: {  	[bflag:$0x0] =	sbarrier.arrive $0xFFFF  }
0x150: {  	_ =	strace $0x90000047  }
0x151: {  	s0 =	stileid.u32;
	[bflag:$0x2] =	sbarrier.arrive $0xFFFF  }
0x152: {  	p0 =	sne.s32 s0, $0x0;
	s0 =	rddreg [dreg:$0x6]  }
0x153: {  	s0 =	sadd.s32 @!p0 $0x100000, s0  }
0x154: {  	[sflag:s0] =	ssyncadd.tile.s32 @!p0 $0x1;
	_ =	shalt  }
.Lfunc_end2:
_tile_overlayer_lowered:
.L_overlay_start_2:
0x155: {  	(tag) =	ssettag $0x2  }
0x156: {  	s0 =	rddreg [dreg:$0x0];
	s2 =	stileid.u32  }
0x157: {  	s1 =	rddreg [dreg:$0x1];
	p0 =	sne.s32 s2, $0x0  }
0x158: {  	s3 =	rddreg [dreg:$0x2];
	[bflag:$0x3] =	sbarrier.arrive $0xFFFF;
	s2 =	simm.s32 @!p0 $0x1C04  }
0x159: {  	[timem:s3], [sflag:s2] =	dma.local @!p0 [hbm:s0], s1  }
0x15a: {  	s0 =	simm.s32 @!p0 $0x4  }
0x15b: {  	_ =	swait.ge @!p0 [sflag:s0], s1  }
0x15c: {  	s1 =	ssub.s32 @!p0 $0x0, s1;
	[sflag:s0] =	ssyncset.done @!p0 $0x0  }
0x15d: {  	[sflag:s0] =	ssyncadd.s32 @!p0 s1  }
0x15e: {  	[bflag:$0x3] =	sbarrier.arrive $0xFFFF  }
0x15f: {  	_ =	shalt  }

</sc_bundles>
